<compile_context>
chip_gen: v7x
topology: tpu7x:2x2x1
jax: 0.10.2.dev20260603
libtpu: 0.0.44.dev20260713+nightly
codegen_flags: <defaults>
</compile_context>

<pallas_src>
import jax
import jax.numpy as jnp
from jax import lax
from jax.experimental import pallas as pl
from jax.experimental.pallas import tpu as pltpu
from jax.experimental.pallas import tpu_sc as plsc

BATCH = 4096
HIST = 200
FEATURE_DIM = 100000
EMBED = 128
NUM_WORKERS = 32
BPW = BATCH // NUM_WORKERS
ZROW = FEATURE_DIM + 1
IPW = BPW * HIST
CH = IPW // BPW
NRING = 4
NIT = CH // NRING
RSTEP = (IPW // 16) // NIT


def _sc_body(xb_hbm, xq_hbm, neg_hbm, tab_hbm, q_out, ub_out, nub_out,
             xbuf, nbuf, ebufs, qidx, sem, gsems, wsems):
    wid = lax.axis_index("s") * 2 + lax.axis_index("c")
    base = wid * BPW

    pltpu.sync_copy(xb_hbm.at[pl.ds(base * HIST, IPW)], xbuf)
    pltpu.sync_copy(neg_hbm.at[pl.ds(base * HIST, IPW)], nbuf)
    pltpu.sync_copy(xq_hbm.at[pl.ds(base, BPW)], qidx)

    zeros16 = jnp.zeros((16,), jnp.int32)
    zrow16 = jnp.full((16,), ZROW, jnp.int32)

    def remap16(ref, o):
        v = ref[pl.ds(o, 16)]
        ref[pl.ds(o, 16)] = jnp.where(v > zeros16, v, zrow16)

    def remap_x(s, carry):
        remap16(xbuf, s * 16)
        return carry

    lax.fori_loop(0, IPW // 16, remap_x, 0)

    pltpu.async_copy(tab_hbm.at[qidx], ebufs[0], sem).wait()
    pltpu.sync_copy(ebufs[0], q_out.at[pl.ds(base, BPW)])

    def start_g(idx_ref, t, k):
        pltpu.async_copy(tab_hbm.at[idx_ref.at[pl.ds(t * BPW, BPW)]],
                         ebufs[k], gsems[k])

    def drain_g(k):
        pltpu.make_async_copy(tab_hbm.at[pl.ds(0, BPW), :], ebufs[k],
                              gsems[k]).wait()

    def emit(idx_ref, out_ref, wbase, hidden):
        for k in range(NRING):
            start_g(idx_ref, k, k)

        def step(i, carry):
            for k in range(NRING):
                t = NRING * i + k
                drain_g(k)
                pltpu.async_copy(
                    ebufs[k], out_ref.at[pl.ds(wbase + t * BPW, BPW), :],
                    wsems[k])

            hidden(i)

            for k in range(NRING):
                t = NRING * i + k
                pltpu.make_async_copy(
                    ebufs[k], out_ref.at[pl.ds(wbase + t * BPW, BPW), :],
                    wsems[k]).wait()

                @pl.when(t + NRING < CH)
                def _(t=t, k=k):
                    start_g(idx_ref, t + NRING, k)

            return carry

        lax.fori_loop(0, NIT, step, 0)

    def user_hidden(i):
        for s in range(RSTEP):
            remap16(nbuf, (RSTEP * i + s) * 16)

    emit(xbuf, ub_out, base * HIST, user_hidden)
    emit(nbuf, nub_out, base * HIST, lambda i: None)


def _tc_len_body(x_ref, o_ref):
    m = jnp.where(x_ref[...] > 0, jnp.int32(1), jnp.int32(0))
    o_ref[...] = jnp.sum(m, axis=1)


@jax.jit
def _impl(x, neg_x, table):
    tab2 = jnp.concatenate(
        [table, jnp.zeros((1, EMBED), jnp.float32)], axis=0)
    xb2d = x[:, :HIST]
    xb = xb2d.reshape(-1)
    xq = x[:, HIST]
    negf = neg_x.reshape(-1)

    fn = pl.kernel(
        _sc_body,
        out_type=(
            jax.ShapeDtypeStruct((BATCH, EMBED), jnp.float32),
            jax.ShapeDtypeStruct((BATCH * HIST, EMBED), jnp.float32),
            jax.ShapeDtypeStruct((BATCH * HIST, EMBED), jnp.float32),
        ),
        mesh=plsc.VectorSubcoreMesh(core_axis_name="c", subcore_axis_name="s"),
        scratch_types=[
            pltpu.VMEM((IPW,), jnp.int32),
            pltpu.VMEM((IPW,), jnp.int32),
            [pltpu.VMEM((BPW, EMBED), jnp.float32) for _ in range(NRING)],
            pltpu.VMEM((BPW,), jnp.int32),
            pltpu.SemaphoreType.DMA,
            [pltpu.SemaphoreType.DMA for _ in range(NRING)],
            [pltpu.SemaphoreType.DMA for _ in range(NRING)],
        ],
    )
    q, ub, nub = fn(xb, xq, negf, tab2)

    bl = pl.pallas_call(
        _tc_len_body,
        grid=(8,),
        in_specs=[pl.BlockSpec((BATCH // 8, HIST), lambda i: (i, 0))],
        out_specs=pl.BlockSpec((BATCH // 8,), lambda i: (i,)),
        out_shape=jax.ShapeDtypeStruct((BATCH,), jnp.int32),
    )(xb2d)

    return (q.reshape(BATCH, 1, EMBED), ub.reshape(BATCH, HIST, EMBED), bl,
            nub.reshape(BATCH, HIST, EMBED))


def kernel(x, neg_x, table):
    return _impl(x, neg_x, table)

# --- scband reference (transcript-rebuilt; emitter-appended) ---
"""Pipeline reference for scband-embedding-layer-77790447665309 (READ-ONLY COPY).

The authoritative reference and input builder live on the scoring server;
editing this copy changes nothing except your own understanding.
"""

import jax, jax.numpy as jnp
import numpy as np

BATCH = 4096
HIST = 200
FEATURE_DIM = 100000
EMBED_DIM = 128

def setup_inputs(seed: int = 0) -> dict:
    key = jax.random.key(seed)
    k1, k2, k3 = jax.random.split(key, 3)
    x = jax.random.randint(k1, (BATCH, HIST + 1), 0, FEATURE_DIM, dtype=jnp.int64 if jax.config.jax_enable_x64 else jnp.int32).astype(jnp.int32)
    neg_x = jax.random.randint(k2, (BATCH, HIST), 0, FEATURE_DIM, dtype=jnp.int32)
    table = jax.random.normal(k3, (FEATURE_DIM + 1, EMBED_DIM), dtype=jnp.float32)
    return {"x": x, "neg_x": neg_x, "table": table}

def reference(x, neg_x, table):
    behaviors_x = x[:, :-1]
    mask = (behaviors_x > 0).astype(jnp.float32)[..., None]
    ads_x = x[:, -1]
    query_ad = jnp.take(table, ads_x, axis=0)[:, None, :]
    user_behavior = jnp.take(table, behaviors_x, axis=0) * mask
    behavior_length = (behaviors_x > 0).sum(axis=1)
    neg_mask = (neg_x > 0).astype(jnp.float32)[..., None]
    neg_user_behavior = jnp.take(table, neg_x, axis=0) * neg_mask
    return (query_ad, user_behavior, behavior_length, neg_user_behavior)

if __name__ == "__main__":
    import jax
    _d = setup_inputs()
    print(jax.jit(kernel)(*tuple(_d.values())))

</pallas_src>

<mosaic_0001>
#map = affine_map<(d0, d1) -> (0)>
#map1 = affine_map<(d0, d1) -> (0, 0)>
module attributes {stable_mosaic.version = 14 : i64} {
  func.func @_sc_body(%arg0: i32, %arg1: i32, %arg2: memref<819200xi32, #tpu.memory_space<hbm>>, %arg3: memref<4096xi32, #tpu.memory_space<hbm>>, %arg4: memref<819200xi32, #tpu.memory_space<hbm>>, %arg5: memref<100002x128xf32, #tpu.memory_space<hbm>>, %arg6: memref<4096x128xf32, #tpu.memory_space<hbm>>, %arg7: memref<819200x128xf32, #tpu.memory_space<hbm>>, %arg8: memref<819200x128xf32, #tpu.memory_space<hbm>>, %arg9: memref<25600xi32, #tpu.memory_space<vmem>>, %arg10: memref<25600xi32, #tpu.memory_space<vmem>>, %arg11: memref<128x128xf32, #tpu.memory_space<vmem>>, %arg12: memref<128x128xf32, #tpu.memory_space<vmem>>, %arg13: memref<128x128xf32, #tpu.memory_space<vmem>>, %arg14: memref<128x128xf32, #tpu.memory_space<vmem>>, %arg15: memref<128xi32, #tpu.memory_space<vmem>>, %arg16: memref<!tpu.dma_semaphore, #tpu.memory_space<semaphore_mem>>, %arg17: memref<!tpu.dma_semaphore, #tpu.memory_space<semaphore_mem>>, %arg18: memref<!tpu.dma_semaphore, #tpu.memory_space<semaphore_mem>>, %arg19: memref<!tpu.dma_semaphore, #tpu.memory_space<semaphore_mem>>, %arg20: memref<!tpu.dma_semaphore, #tpu.memory_space<semaphore_mem>>, %arg21: memref<!tpu.dma_semaphore, #tpu.memory_space<semaphore_mem>>, %arg22: memref<!tpu.dma_semaphore, #tpu.memory_space<semaphore_mem>>, %arg23: memref<!tpu.dma_semaphore, #tpu.memory_space<semaphore_mem>>, %arg24: memref<!tpu.dma_semaphore, #tpu.memory_space<semaphore_mem>>) attributes {dimension_semantics = [#tpu.dimension_semantics<core_parallel>, #tpu.dimension_semantics<subcore_parallel>], iteration_bounds = array<i64: 2, 16>, scalar_prefetch = 0 : i64, scratch_operands = 16 : i64, tpu.core_type = #tpu.core_type<sc_vector_subcore>, window_params = [{transform_indices = #map}, {transform_indices = #map}, {transform_indices = #map}, {transform_indices = #map1}, {transform_indices = #map1}, {transform_indices = #map1}, {transform_indices = #map1}]} {
    %mul3A = arith.constant 2 : i32
    %mul3A_0 = arith.muli %arg1, %mul3A : i32
    %add3A = arith.addi %mul3A_0, %arg0 : i32
    %mul3A_1 = arith.constant 128 : i32
    %mul3A_2 = arith.muli %add3A, %mul3A_1 : i32
    %mul3A_3 = arith.constant 200 : i32
    %mul3A_4 = arith.muli %mul3A_2, %mul3A_3 : i32
    "tpu.region"() ({
      %run_scoped3A = tpu.sem_alloc : memref<!tpu.dma_semaphore, #tpu.memory_space<semaphore_mem>>
      %dma_start3A_75 = tpu.memref_slice %arg2[%mul3A_4] : memref<819200xi32, #tpu.memory_space<hbm>> -> memref<25600xi32, #tpu.memory_space<hbm>>
      %dma_start3A_76 = tpu.memref_slice %arg2[%mul3A_4] : memref<819200xi32, #tpu.memory_space<hbm>> -> memref<25600xi32, #tpu.memory_space<hbm>>
      tpu.enqueue_dma source(%dma_start3A_76 : memref<25600xi32, #tpu.memory_space<hbm>>) target(%arg9 : memref<25600xi32, #tpu.memory_space<vmem>>) target_semaphore(%run_scoped3A : memref<!tpu.dma_semaphore, #tpu.memory_space<semaphore_mem>>)
      %dma_wait3A_77 = tpu.memref_slice %arg2[%mul3A_4] : memref<819200xi32, #tpu.memory_space<hbm>> -> memref<25600xi32, #tpu.memory_space<hbm>>
      %dma_wait3A_78 = tpu.memref_slice %arg2[%mul3A_4] : memref<819200xi32, #tpu.memory_space<hbm>> -> memref<25600xi32, #tpu.memory_space<hbm>>
      tpu.wait_dma2 semaphore(%run_scoped3A : memref<!tpu.dma_semaphore, #tpu.memory_space<semaphore_mem>>) src(%dma_wait3A_78 : memref<25600xi32, #tpu.memory_space<hbm>>) dst(%arg9 : memref<25600xi32, #tpu.memory_space<vmem>>)
      tpu.yield
    }) : () -> ()
    %mul3A_5 = arith.constant 200 : i32
    %mul3A_6 = arith.muli %mul3A_2, %mul3A_5 : i32
    "tpu.region"() ({
      %run_scoped3A = tpu.sem_alloc : memref<!tpu.dma_semaphore, #tpu.memory_space<semaphore_mem>>
      %dma_start3A_75 = tpu.memref_slice %arg4[%mul3A_6] : memref<819200xi32, #tpu.memory_space<hbm>> -> memref<25600xi32, #tpu.memory_space<hbm>>
      %dma_start3A_76 = tpu.memref_slice %arg4[%mul3A_6] : memref<819200xi32, #tpu.memory_space<hbm>> -> memref<25600xi32, #tpu.memory_space<hbm>>
      tpu.enqueue_dma source(%dma_start3A_76 : memref<25600xi32, #tpu.memory_space<hbm>>) target(%arg10 : memref<25600xi32, #tpu.memory_space<vmem>>) target_semaphore(%run_scoped3A : memref<!tpu.dma_semaphore, #tpu.memory_space<semaphore_mem>>)
      %dma_wait3A_77 = tpu.memref_slice %arg4[%mul3A_6] : memref<819200xi32, #tpu.memory_space<hbm>> -> memref<25600xi32, #tpu.memory_space<hbm>>
      %dma_wait3A_78 = tpu.memref_slice %arg4[%mul3A_6] : memref<819200xi32, #tpu.memory_space<hbm>> -> memref<25600xi32, #tpu.memory_space<hbm>>
      tpu.wait_dma2 semaphore(%run_scoped3A : memref<!tpu.dma_semaphore, #tpu.memory_space<semaphore_mem>>) src(%dma_wait3A_78 : memref<25600xi32, #tpu.memory_space<hbm>>) dst(%arg10 : memref<25600xi32, #tpu.memory_space<vmem>>)
      tpu.yield
    }) : () -> ()
    "tpu.region"() ({
      %run_scoped3A = tpu.sem_alloc : memref<!tpu.dma_semaphore, #tpu.memory_space<semaphore_mem>>
      %dma_start3A_75 = tpu.memref_slice %arg3[%mul3A_2] : memref<4096xi32, #tpu.memory_space<hbm>> -> memref<128xi32, #tpu.memory_space<hbm>>
      %dma_start3A_76 = tpu.memref_slice %arg3[%mul3A_2] : memref<4096xi32, #tpu.memory_space<hbm>> -> memref<128xi32, #tpu.memory_space<hbm>>
      tpu.enqueue_dma source(%dma_start3A_76 : memref<128xi32, #tpu.memory_space<hbm>>) target(%arg15 : memref<128xi32, #tpu.memory_space<vmem>>) target_semaphore(%run_scoped3A : memref<!tpu.dma_semaphore, #tpu.memory_space<semaphore_mem>>)
      %dma_wait3A_77 = tpu.memref_slice %arg3[%mul3A_2] : memref<4096xi32, #tpu.memory_space<hbm>> -> memref<128xi32, #tpu.memory_space<hbm>>
      %dma_wait3A_78 = tpu.memref_slice %arg3[%mul3A_2] : memref<4096xi32, #tpu.memory_space<hbm>> -> memref<128xi32, #tpu.memory_space<hbm>>
      tpu.wait_dma2 semaphore(%run_scoped3A : memref<!tpu.dma_semaphore, #tpu.memory_space<semaphore_mem>>) src(%dma_wait3A_78 : memref<128xi32, #tpu.memory_space<hbm>>) dst(%arg15 : memref<128xi32, #tpu.memory_space<vmem>>)
      tpu.yield
    }) : () -> ()
    %broadcast_in_dim3A = arith.constant 0 : i32
    %broadcast_in_dim3A_7 = vector.broadcast %broadcast_in_dim3A : i32 to vector<16xi32>
    %broadcast_in_dim3A_8 = arith.constant 100001 : i32
    %broadcast_in_dim3A_9 = vector.broadcast %broadcast_in_dim3A_8 : i32 to vector<16xi32>
    %scan3A = arith.constant 0 : i32
    %scan3A_10 = arith.constant 0 : i32
    %scan3A_11 = arith.constant 1600 : i32
    %scan3A_12 = arith.addi %scan3A_10, %scan3A_11 : i32
    %scan3A_13 = arith.constant 1 : i32
    scf.for %scan3A_75 = %scan3A_10 to %scan3A_12 step %scan3A_13  : i32 {
      %mul3A_76 = arith.constant 16 : i32
      %mul3A_77 = arith.muli %scan3A_75, %mul3A_76 : i32
      %get3A = arith.index_cast %mul3A_77 : i32 to index
      %get3A_78 = tpu.vector_load %arg9[%get3A] {strides = array<i32>} : memref<25600xi32, #tpu.memory_space<vmem>>, vector<16xi32>,
      %get3A_79 = vector.shape_cast %get3A_78 : vector<16xi32> to vector<16xi32>
      %gt3A = arith.cmpi sgt, %get3A_79, %broadcast_in_dim3A_7 : vector<16xi32>
      %select_n3A = arith.select %gt3A, %get3A_79, %broadcast_in_dim3A_9 : vector<16xi1>, vector<16xi32>
      %swap3A = arith.index_cast %mul3A_77 : i32 to index
      %swap3A_80 = tpu.vector_load %arg9[%swap3A] {strides = array<i32>} : memref<25600xi32, #tpu.memory_space<vmem>>, vector<16xi32>,
      %swap3A_81 = vector.shape_cast %swap3A_80 : vector<16xi32> to vector<16xi32>
      %swap3A_82 = vector.shape_cast %select_n3A : vector<16xi32> to vector<16xi32>
      tpu.vector_store %arg9[%swap3A], %swap3A_82 {strides = array<i32>} : memref<25600xi32, #tpu.memory_space<vmem>>, vector<16xi32>,
    }
    %scan3A_14 = arith.constant 1600 : i32
    %dma_start3A = arith.constant 0 : i32
    %dma_start3A_15 = arith.constant 0 : i32
    %dma_start3A_16 = tpu.memref_slice %arg5[%dma_start3A, %dma_start3A_15] : memref<100002x128xf32, #tpu.memory_space<hbm>> -> memref<100002x128xf32, #tpu.memory_space<hbm>>
    tpu.enqueue_indirect_dma source(%dma_start3A_16 : memref<100002x128xf32, #tpu.memory_space<hbm>>) target(%arg11 : memref<128x128xf32, #tpu.memory_space<vmem>>) offsets(%arg15 : memref<128xi32, #tpu.memory_space<vmem>>) semaphore(%arg16 : memref<!tpu.dma_semaphore, #tpu.memory_space<semaphore_mem>>)
    %dma_wait3A = arith.constant 0 : i32
    %dma_wait3A_17 = arith.constant 0 : i32
    %dma_wait3A_18 = tpu.memref_slice %arg5[%dma_wait3A, %dma_wait3A_17] : memref<100002x128xf32, #tpu.memory_space<hbm>> -> memref<100002x128xf32, #tpu.memory_space<hbm>>
    tpu.wait_indirect_dma semaphore(%arg16 : memref<!tpu.dma_semaphore, #tpu.memory_space<semaphore_mem>>) src(%dma_wait3A_18 : memref<100002x128xf32, #tpu.memory_space<hbm>>) dst(%arg11 : memref<128x128xf32, #tpu.memory_space<vmem>>)
    "tpu.region"() ({
      %run_scoped3A = tpu.sem_alloc : memref<!tpu.dma_semaphore, #tpu.memory_space<semaphore_mem>>
      %dma_start3A_75 = arith.constant 0 : i32
      %dma_start3A_76 = tpu.memref_slice %arg6[%mul3A_2, %dma_start3A_75] : memref<4096x128xf32, #tpu.memory_space<hbm>> -> memref<128x128xf32, #tpu.memory_space<hbm>>
      %dma_start3A_77 = arith.constant 0 : i32
      %dma_start3A_78 = tpu.memref_slice %arg6[%mul3A_2, %dma_start3A_77] : memref<4096x128xf32, #tpu.memory_space<hbm>> -> memref<128x128xf32, #tpu.memory_space<hbm>>
      tpu.enqueue_dma source(%arg11 : memref<128x128xf32, #tpu.memory_space<vmem>>) target(%dma_start3A_78 : memref<128x128xf32, #tpu.memory_space<hbm>>) target_semaphore(%run_scoped3A : memref<!tpu.dma_semaphore, #tpu.memory_space<semaphore_mem>>)
      %dma_wait3A_79 = arith.constant 0 : i32
      %dma_wait3A_80 = tpu.memref_slice %arg6[%mul3A_2, %dma_wait3A_79] : memref<4096x128xf32, #tpu.memory_space<hbm>> -> memref<128x128xf32, #tpu.memory_space<hbm>>
      %dma_wait3A_81 = arith.constant 0 : i32
      %dma_wait3A_82 = tpu.memref_slice %arg6[%mul3A_2, %dma_wait3A_81] : memref<4096x128xf32, #tpu.memory_space<hbm>> -> memref<128x128xf32, #tpu.memory_space<hbm>>
      tpu.wait_dma2 semaphore(%run_scoped3A : memref<!tpu.dma_semaphore, #tpu.memory_space<semaphore_mem>>) src(%arg11 : memref<128x128xf32, #tpu.memory_space<vmem>>) dst(%dma_wait3A_82 : memref<128x128xf32, #tpu.memory_space<hbm>>)
      tpu.yield
    }) : () -> ()
    %mul3A_19 = arith.constant 200 : i32
    %mul3A_20 = arith.muli %mul3A_2, %mul3A_19 : i32
    %dma_start3A_21 = arith.constant 0 : i32
    %dma_start3A_22 = tpu.memref_slice %arg9[%dma_start3A_21] : memref<25600xi32, #tpu.memory_space<vmem>> -> memref<128xi32, #tpu.memory_space<vmem>>
    %dma_start3A_23 = arith.constant 0 : i32
    %dma_start3A_24 = arith.constant 0 : i32
    %dma_start3A_25 = tpu.memref_slice %arg5[%dma_start3A_23, %dma_start3A_24] : memref<100002x128xf32, #tpu.memory_space<hbm>> -> memref<100002x128xf32, #tpu.memory_space<hbm>>
    tpu.enqueue_indirect_dma source(%dma_start3A_25 : memref<100002x128xf32, #tpu.memory_space<hbm>>) target(%arg11 : memref<128x128xf32, #tpu.memory_space<vmem>>) offsets(%dma_start3A_22 : memref<128xi32, #tpu.memory_space<vmem>>) semaphore(%arg17 : memref<!tpu.dma_semaphore, #tpu.memory_space<semaphore_mem>>)
    %dma_start3A_26 = arith.constant 128 : i32
    %dma_start3A_27 = tpu.memref_slice %arg9[%dma_start3A_26] : memref<25600xi32, #tpu.memory_space<vmem>> -> memref<128xi32, #tpu.memory_space<vmem>>
    %dma_start3A_28 = arith.constant 0 : i32
    %dma_start3A_29 = arith.constant 0 : i32
    %dma_start3A_30 = tpu.memref_slice %arg5[%dma_start3A_28, %dma_start3A_29] : memref<100002x128xf32, #tpu.memory_space<hbm>> -> memref<100002x128xf32, #tpu.memory_space<hbm>>
    tpu.enqueue_indirect_dma source(%dma_start3A_30 : memref<100002x128xf32, #tpu.memory_space<hbm>>) target(%arg12 : memref<128x128xf32, #tpu.memory_space<vmem>>) offsets(%dma_start3A_27 : memref<128xi32, #tpu.memory_space<vmem>>) semaphore(%arg18 : memref<!tpu.dma_semaphore, #tpu.memory_space<semaphore_mem>>)
    %dma_start3A_31 = arith.constant 256 : i32
    %dma_start3A_32 = tpu.memref_slice %arg9[%dma_start3A_31] : memref<25600xi32, #tpu.memory_space<vmem>> -> memref<128xi32, #tpu.memory_space<vmem>>
    %dma_start3A_33 = arith.constant 0 : i32
    %dma_start3A_34 = arith.constant 0 : i32
    %dma_start3A_35 = tpu.memref_slice %arg5[%dma_start3A_33, %dma_start3A_34] : memref<100002x128xf32, #tpu.memory_space<hbm>> -> memref<100002x128xf32, #tpu.memory_space<hbm>>
    tpu.enqueue_indirect_dma source(%dma_start3A_35 : memref<100002x128xf32, #tpu.memory_space<hbm>>) target(%arg13 : memref<128x128xf32, #tpu.memory_space<vmem>>) offsets(%dma_start3A_32 : memref<128xi32, #tpu.memory_space<vmem>>) semaphore(%arg19 : memref<!tpu.dma_semaphore, #tpu.memory_space<semaphore_mem>>)
    %dma_start3A_36 = arith.constant 384 : i32
    %dma_start3A_37 = tpu.memref_slice %arg9[%dma_start3A_36] : memref<25600xi32, #tpu.memory_space<vmem>> -> memref<128xi32, #tpu.memory_space<vmem>>
    %dma_start3A_38 = arith.constant 0 : i32
    %dma_start3A_39 = arith.constant 0 : i32
    %dma_start3A_40 = tpu.memref_slice %arg5[%dma_start3A_38, %dma_start3A_39] : memref<100002x128xf32, #tpu.memory_space<hbm>> -> memref<100002x128xf32, #tpu.memory_space<hbm>>
    tpu.enqueue_indirect_dma source(%dma_start3A_40 : memref<100002x128xf32, #tpu.memory_space<hbm>>) target(%arg14 : memref<128x128xf32, #tpu.memory_space<vmem>>) offsets(%dma_start3A_37 : memref<128xi32, #tpu.memory_space<vmem>>) semaphore(%arg20 : memref<!tpu.dma_semaphore, #tpu.memory_space<semaphore_mem>>)
    %scan3A_41 = arith.constant 0 : i32
    %scan3A_42 = arith.constant 0 : i32
    %scan3A_43 = arith.constant 50 : i32
    %scan3A_44 = arith.addi %scan3A_42, %scan3A_43 : i32
    %scan3A_45 = arith.constant 1 : i32
    scf.for %scan3A_75 = %scan3A_42 to %scan3A_44 step %scan3A_45  : i32 {
      %mul3A_76 = arith.constant 4 : i32
      %mul3A_77 = arith.muli %mul3A_76, %scan3A_75 : i32
      %add3A_78 = arith.constant 0 : i32
      %add3A_79 = arith.addi %mul3A_77, %add3A_78 : i32
      %dma_wait3A_80 = arith.constant 0 : i32
      %dma_wait3A_81 = arith.constant 0 : i32
      %dma_wait3A_82 = tpu.memref_slice %arg5[%dma_wait3A_80, %dma_wait3A_81] : memref<100002x128xf32, #tpu.memory_space<hbm>> -> memref<128x128xf32, #tpu.memory_space<hbm>>
      %dma_wait3A_83 = arith.constant 0 : i32
      %dma_wait3A_84 = arith.constant 0 : i32
      %dma_wait3A_85 = tpu.memref_slice %arg5[%dma_wait3A_83, %dma_wait3A_84] : memref<100002x128xf32, #tpu.memory_space<hbm>> -> memref<128x128xf32, #tpu.memory_space<hbm>>
      tpu.wait_dma2 semaphore(%arg17 : memref<!tpu.dma_semaphore, #tpu.memory_space<semaphore_mem>>) src(%dma_wait3A_85 : memref<128x128xf32, #tpu.memory_space<hbm>>) dst(%arg11 : memref<128x128xf32, #tpu.memory_space<vmem>>)
      %mul3A_86 = arith.constant 128 : i32
      %mul3A_87 = arith.muli %add3A_79, %mul3A_86 : i32
      %add3A_88 = arith.addi %mul3A_20, %mul3A_87 : i32
      %dma_start3A_89 = arith.constant 0 : i32
      %dma_start3A_90 = tpu.memref_slice %arg7[%add3A_88, %dma_start3A_89] : memref<819200x128xf32, #tpu.memory_space<hbm>> -> memref<128x128xf32, #tpu.memory_space<hbm>>
      %dma_start3A_91 = arith.constant 0 : i32
      %dma_start3A_92 = tpu.memref_slice %arg7[%add3A_88, %dma_start3A_91] : memref<819200x128xf32, #tpu.memory_space<hbm>> -> memref<128x128xf32, #tpu.memory_space<hbm>>
      tpu.enqueue_dma source(%arg11 : memref<128x128xf32, #tpu.memory_space<vmem>>) target(%dma_start3A_92 : memref<128x128xf32, #tpu.memory_space<hbm>>) target_semaphore(%arg21 : memref<!tpu.dma_semaphore, #tpu.memory_space<semaphore_mem>>)
      %mul3A_93 = arith.constant 4 : i32
      %mul3A_94 = arith.muli %mul3A_93, %scan3A_75 : i32
      %add3A_95 = arith.constant 1 : i32
      %add3A_96 = arith.addi %mul3A_94, %add3A_95 : i32
      %dma_wait3A_97 = arith.constant 0 : i32
      %dma_wait3A_98 = arith.constant 0 : i32
      %dma_wait3A_99 = tpu.memref_slice %arg5[%dma_wait3A_97, %dma_wait3A_98] : memref<100002x128xf32, #tpu.memory_space<hbm>> -> memref<128x128xf32, #tpu.memory_space<hbm>>
      %dma_wait3A_100 = arith.constant 0 : i32
      %dma_wait3A_101 = arith.constant 0 : i32
      %dma_wait3A_102 = tpu.memref_slice %arg5[%dma_wait3A_100, %dma_wait3A_101] : memref<100002x128xf32, #tpu.memory_space<hbm>> -> memref<128x128xf32, #tpu.memory_space<hbm>>
      tpu.wait_dma2 semaphore(%arg18 : memref<!tpu.dma_semaphore, #tpu.memory_space<semaphore_mem>>) src(%dma_wait3A_102 : memref<128x128xf32, #tpu.memory_space<hbm>>) dst(%arg12 : memref<128x128xf32, #tpu.memory_space<vmem>>)
      %mul3A_103 = arith.constant 128 : i32
      %mul3A_104 = arith.muli %add3A_96, %mul3A_103 : i32
      %add3A_105 = arith.addi %mul3A_20, %mul3A_104 : i32
      %dma_start3A_106 = arith.constant 0 : i32
      %dma_start3A_107 = tpu.memref_slice %arg7[%add3A_105, %dma_start3A_106] : memref<819200x128xf32, #tpu.memory_space<hbm>> -> memref<128x128xf32, #tpu.memory_space<hbm>>
      %dma_start3A_108 = arith.constant 0 : i32
      %dma_start3A_109 = tpu.memref_slice %arg7[%add3A_105, %dma_start3A_108] : memref<819200x128xf32, #tpu.memory_space<hbm>> -> memref<128x128xf32, #tpu.memory_space<hbm>>
      tpu.enqueue_dma source(%arg12 : memref<128x128xf32, #tpu.memory_space<vmem>>) target(%dma_start3A_109 : memref<128x128xf32, #tpu.memory_space<hbm>>) target_semaphore(%arg22 : memref<!tpu.dma_semaphore, #tpu.memory_space<semaphore_mem>>)
      %mul3A_110 = arith.constant 4 : i32
      %mul3A_111 = arith.muli %mul3A_110, %scan3A_75 : i32
      %add3A_112 = arith.constant 2 : i32
      %add3A_113 = arith.addi %mul3A_111, %add3A_112 : i32
      %dma_wait3A_114 = arith.constant 0 : i32
      %dma_wait3A_115 = arith.constant 0 : i32
      %dma_wait3A_116 = tpu.memref_slice %arg5[%dma_wait3A_114, %dma_wait3A_115] : memref<100002x128xf32, #tpu.memory_space<hbm>> -> memref<128x128xf32, #tpu.memory_space<hbm>>
      %dma_wait3A_117 = arith.constant 0 : i32
      %dma_wait3A_118 = arith.constant 0 : i32
      %dma_wait3A_119 = tpu.memref_slice %arg5[%dma_wait3A_117, %dma_wait3A_118] : memref<100002x128xf32, #tpu.memory_space<hbm>> -> memref<128x128xf32, #tpu.memory_space<hbm>>
      tpu.wait_dma2 semaphore(%arg19 : memref<!tpu.dma_semaphore, #tpu.memory_space<semaphore_mem>>) src(%dma_wait3A_119 : memref<128x128xf32, #tpu.memory_space<hbm>>) dst(%arg13 : memref<128x128xf32, #tpu.memory_space<vmem>>)
      %mul3A_120 = arith.constant 128 : i32
      %mul3A_121 = arith.muli %add3A_113, %mul3A_120 : i32
      %add3A_122 = arith.addi %mul3A_20, %mul3A_121 : i32
      %dma_start3A_123 = arith.constant 0 : i32
      %dma_start3A_124 = tpu.memref_slice %arg7[%add3A_122, %dma_start3A_123] : memref<819200x128xf32, #tpu.memory_space<hbm>> -> memref<128x128xf32, #tpu.memory_space<hbm>>
      %dma_start3A_125 = arith.constant 0 : i32
      %dma_start3A_126 = tpu.memref_slice %arg7[%add3A_122, %dma_start3A_125] : memref<819200x128xf32, #tpu.memory_space<hbm>> -> memref<128x128xf32, #tpu.memory_space<hbm>>
      tpu.enqueue_dma source(%arg13 : memref<128x128xf32, #tpu.memory_space<vmem>>) target(%dma_start3A_126 : memref<128x128xf32, #tpu.memory_space<hbm>>) target_semaphore(%arg23 : memref<!tpu.dma_semaphore, #tpu.memory_space<semaphore_mem>>)
      %mul3A_127 = arith.constant 4 : i32
      %mul3A_128 = arith.muli %mul3A_127, %scan3A_75 : i32
      %add3A_129 = arith.constant 3 : i32
      %add3A_130 = arith.addi %mul3A_128, %add3A_129 : i32
      %dma_wait3A_131 = arith.constant 0 : i32
      %dma_wait3A_132 = arith.constant 0 : i32
      %dma_wait3A_133 = tpu.memref_slice %arg5[%dma_wait3A_131, %dma_wait3A_132] : memref<100002x128xf32, #tpu.memory_space<hbm>> -> memref<128x128xf32, #tpu.memory_space<hbm>>
      %dma_wait3A_134 = arith.constant 0 : i32
      %dma_wait3A_135 = arith.constant 0 : i32
      %dma_wait3A_136 = tpu.memref_slice %arg5[%dma_wait3A_134, %dma_wait3A_135] : memref<100002x128xf32, #tpu.memory_space<hbm>> -> memref<128x128xf32, #tpu.memory_space<hbm>>
      tpu.wait_dma2 semaphore(%arg20 : memref<!tpu.dma_semaphore, #tpu.memory_space<semaphore_mem>>) src(%dma_wait3A_136 : memref<128x128xf32, #tpu.memory_space<hbm>>) dst(%arg14 : memref<128x128xf32, #tpu.memory_space<vmem>>)
      %mul3A_137 = arith.constant 128 : i32
      %mul3A_138 = arith.muli %add3A_130, %mul3A_137 : i32
      %add3A_139 = arith.addi %mul3A_20, %mul3A_138 : i32
      %dma_start3A_140 = arith.constant 0 : i32
      %dma_start3A_141 = tpu.memref_slice %arg7[%add3A_139, %dma_start3A_140] : memref<819200x128xf32, #tpu.memory_space<hbm>> -> memref<128x128xf32, #tpu.memory_space<hbm>>
      %dma_start3A_142 = arith.constant 0 : i32
      %dma_start3A_143 = tpu.memref_slice %arg7[%add3A_139, %dma_start3A_142] : memref<819200x128xf32, #tpu.memory_space<hbm>> -> memref<128x128xf32, #tpu.memory_space<hbm>>
      tpu.enqueue_dma source(%arg14 : memref<128x128xf32, #tpu.memory_space<vmem>>) target(%dma_start3A_143 : memref<128x128xf32, #tpu.memory_space<hbm>>) target_semaphore(%arg24 : memref<!tpu.dma_semaphore, #tpu.memory_space<semaphore_mem>>)
      %mul3A_144 = arith.constant 32 : i32
      %mul3A_145 = arith.muli %mul3A_144, %scan3A_75 : i32
      %add3A_146 = arith.constant 0 : i32
      %add3A_147 = arith.addi %mul3A_145, %add3A_146 : i32
      %mul3A_148 = arith.constant 16 : i32
      %mul3A_149 = arith.muli %add3A_147, %mul3A_148 : i32
      %get3A = arith.index_cast %mul3A_149 : i32 to index
      %get3A_150 = tpu.vector_load %arg10[%get3A] {strides = array<i32>} : memref<25600xi32, #tpu.memory_space<vmem>>, vector<16xi32>,
      %get3A_151 = vector.shape_cast %get3A_150 : vector<16xi32> to vector<16xi32>
      %gt3A = arith.cmpi sgt, %get3A_151, %broadcast_in_dim3A_7 : vector<16xi32>
      %select_n3A = arith.select %gt3A, %get3A_151, %broadcast_in_dim3A_9 : vector<16xi1>, vector<16xi32>
      %swap3A = arith.index_cast %mul3A_149 : i32 to index
      %swap3A_152 = tpu.vector_load %arg10[%swap3A] {strides = array<i32>} : memref<25600xi32, #tpu.memory_space<vmem>>, vector<16xi32>,
      %swap3A_153 = vector.shape_cast %swap3A_152 : vector<16xi32> to vector<16xi32>
      %swap3A_154 = vector.shape_cast %select_n3A : vector<16xi32> to vector<16xi32>
      tpu.vector_store %arg10[%swap3A], %swap3A_154 {strides = array<i32>} : memref<25600xi32, #tpu.memory_space<vmem>>, vector<16xi32>,
      %mul3A_155 = arith.constant 32 : i32
      %mul3A_156 = arith.muli %mul3A_155, %scan3A_75 : i32
      %add3A_157 = arith.constant 1 : i32
      %add3A_158 = arith.addi %mul3A_156, %add3A_157 : i32
      %mul3A_159 = arith.constant 16 : i32
      %mul3A_160 = arith.muli %add3A_158, %mul3A_159 : i32
      %get3A_161 = arith.index_cast %mul3A_160 : i32 to index
      %get3A_162 = tpu.vector_load %arg10[%get3A_161] {strides = array<i32>} : memref<25600xi32, #tpu.memory_space<vmem>>, vector<16xi32>,
      %get3A_163 = vector.shape_cast %get3A_162 : vector<16xi32> to vector<16xi32>
      %gt3A_164 = arith.cmpi sgt, %get3A_163, %broadcast_in_dim3A_7 : vector<16xi32>
      %select_n3A_165 = arith.select %gt3A_164, %get3A_163, %broadcast_in_dim3A_9 : vector<16xi1>, vector<16xi32>
      %swap3A_166 = arith.index_cast %mul3A_160 : i32 to index
      %swap3A_167 = tpu.vector_load %arg10[%swap3A_166] {strides = array<i32>} : memref<25600xi32, #tpu.memory_space<vmem>>, vector<16xi32>,
      %swap3A_168 = vector.shape_cast %swap3A_167 : vector<16xi32> to vector<16xi32>
      %swap3A_169 = vector.shape_cast %select_n3A_165 : vector<16xi32> to vector<16xi32>
      tpu.vector_store %arg10[%swap3A_166], %swap3A_169 {strides = array<i32>} : memref<25600xi32, #tpu.memory_space<vmem>>, vector<16xi32>,
      %mul3A_170 = arith.constant 32 : i32
      %mul3A_171 = arith.muli %mul3A_170, %scan3A_75 : i32
      %add3A_172 = arith.constant 2 : i32
      %add3A_173 = arith.addi %mul3A_171, %add3A_172 : i32
      %mul3A_174 = arith.constant 16 : i32
      %mul3A_175 = arith.muli %add3A_173, %mul3A_174 : i32
      %get3A_176 = arith.index_cast %mul3A_175 : i32 to index
      %get3A_177 = tpu.vector_load %arg10[%get3A_176] {strides = array<i32>} : memref<25600xi32, #tpu.memory_space<vmem>>, vector<16xi32>,
      %get3A_178 = vector.shape_cast %get3A_177 : vector<16xi32> to vector<16xi32>
      %gt3A_179 = arith.cmpi sgt, %get3A_178, %broadcast_in_dim3A_7 : vector<16xi32>
      %select_n3A_180 = arith.select %gt3A_179, %get3A_178, %broadcast_in_dim3A_9 : vector<16xi1>, vector<16xi32>
      %swap3A_181 = arith.index_cast %mul3A_175 : i32 to index
      %swap3A_182 = tpu.vector_load %arg10[%swap3A_181] {strides = array<i32>} : memref<25600xi32, #tpu.memory_space<vmem>>, vector<16xi32>,
      %swap3A_183 = vector.shape_cast %swap3A_182 : vector<16xi32> to vector<16xi32>
      %swap3A_184 = vector.shape_cast %select_n3A_180 : vector<16xi32> to vector<16xi32>
      tpu.vector_store %arg10[%swap3A_181], %swap3A_184 {strides = array<i32>} : memref<25600xi32, #tpu.memory_space<vmem>>, vector<16xi32>,
      %mul3A_185 = arith.constant 32 : i32
      %mul3A_186 = arith.muli %mul3A_185, %scan3A_75 : i32
      %add3A_187 = arith.constant 3 : i32
      %add3A_188 = arith.addi %mul3A_186, %add3A_187 : i32
      %mul3A_189 = arith.constant 16 : i32
      %mul3A_190 = arith.muli %add3A_188, %mul3A_189 : i32
      %get3A_191 = arith.index_cast %mul3A_190 : i32 to index
      %get3A_192 = tpu.vector_load %arg10[%get3A_191] {strides = array<i32>} : memref<25600xi32, #tpu.memory_space<vmem>>, vector<16xi32>,
      %get3A_193 = vector.shape_cast %get3A_192 : vector<16xi32> to vector<16xi32>
      %gt3A_194 = arith.cmpi sgt, %get3A_193, %broadcast_in_dim3A_7 : vector<16xi32>
      %select_n3A_195 = arith.select %gt3A_194, %get3A_193, %broadcast_in_dim3A_9 : vector<16xi1>, vector<16xi32>
      %swap3A_196 = arith.index_cast %mul3A_190 : i32 to index
      %swap3A_197 = tpu.vector_load %arg10[%swap3A_196] {strides = array<i32>} : memref<25600xi32, #tpu.memory_space<vmem>>, vector<16xi32>,
      %swap3A_198 = vector.shape_cast %swap3A_197 : vector<16xi32> to vector<16xi32>
      %swap3A_199 = vector.shape_cast %select_n3A_195 : vector<16xi32> to vector<16xi32>
      tpu.vector_store %arg10[%swap3A_196], %swap3A_199 {strides = array<i32>} : memref<25600xi32, #tpu.memory_space<vmem>>, vector<16xi32>,
      %mul3A_200 = arith.constant 32 : i32
      %mul3A_201 = arith.muli %mul3A_200, %scan3A_75 : i32
      %add3A_202 = arith.constant 4 : i32
      %add3A_203 = arith.addi %mul3A_201, %add3A_202 : i32
      %mul3A_204 = arith.constant 16 : i32
      %mul3A_205 = arith.muli %add3A_203, %mul3A_204 : i32
      %get3A_206 = arith.index_cast %mul3A_205 : i32 to index
      %get3A_207 = tpu.vector_load %arg10[%get3A_206] {strides = array<i32>} : memref<25600xi32, #tpu.memory_space<vmem>>, vector<16xi32>,
      %get3A_208 = vector.shape_cast %get3A_207 : vector<16xi32> to vector<16xi32>
      %gt3A_209 = arith.cmpi sgt, %get3A_208, %broadcast_in_dim3A_7 : vector<16xi32>
      %select_n3A_210 = arith.select %gt3A_209, %get3A_208, %broadcast_in_dim3A_9 : vector<16xi1>, vector<16xi32>
      %swap3A_211 = arith.index_cast %mul3A_205 : i32 to index
      %swap3A_212 = tpu.vector_load %arg10[%swap3A_211] {strides = array<i32>} : memref<25600xi32, #tpu.memory_space<vmem>>, vector<16xi32>,
      %swap3A_213 = vector.shape_cast %swap3A_212 : vector<16xi32> to vector<16xi32>
      %swap3A_214 = vector.shape_cast %select_n3A_210 : vector<16xi32> to vector<16xi32>
      tpu.vector_store %arg10[%swap3A_211], %swap3A_214 {strides = array<i32>} : memref<25600xi32, #tpu.memory_space<vmem>>, vector<16xi32>,
      %mul3A_215 = arith.constant 32 : i32
      %mul3A_216 = arith.muli %mul3A_215, %scan3A_75 : i32
      %add3A_217 = arith.constant 5 : i32
      %add3A_218 = arith.addi %mul3A_216, %add3A_217 : i32
      %mul3A_219 = arith.constant 16 : i32
      %mul3A_220 = arith.muli %add3A_218, %mul3A_219 : i32
      %get3A_221 = arith.index_cast %mul3A_220 : i32 to index
      %get3A_222 = tpu.vector_load %arg10[%get3A_221] {strides = array<i32>} : memref<25600xi32, #tpu.memory_space<vmem>>, vector<16xi32>,
      %get3A_223 = vector.shape_cast %get3A_222 : vector<16xi32> to vector<16xi32>
      %gt3A_224 = arith.cmpi sgt, %get3A_223, %broadcast_in_dim3A_7 : vector<16xi32>
      %select_n3A_225 = arith.select %gt3A_224, %get3A_223, %broadcast_in_dim3A_9 : vector<16xi1>, vector<16xi32>
      %swap3A_226 = arith.index_cast %mul3A_220 : i32 to index
      %swap3A_227 = tpu.vector_load %arg10[%swap3A_226] {strides = array<i32>} : memref<25600xi32, #tpu.memory_space<vmem>>, vector<16xi32>,
      %swap3A_228 = vector.shape_cast %swap3A_227 : vector<16xi32> to vector<16xi32>
      %swap3A_229 = vector.shape_cast %select_n3A_225 : vector<16xi32> to vector<16xi32>
      tpu.vector_store %arg10[%swap3A_226], %swap3A_229 {strides = array<i32>} : memref<25600xi32, #tpu.memory_space<vmem>>, vector<16xi32>,
      %mul3A_230 = arith.constant 32 : i32
      %mul3A_231 = arith.muli %mul3A_230, %scan3A_75 : i32
      %add3A_232 = arith.constant 6 : i32
      %add3A_233 = arith.addi %mul3A_231, %add3A_232 : i32
      %mul3A_234 = arith.constant 16 : i32
      %mul3A_235 = arith.muli %add3A_233, %mul3A_234 : i32
      %get3A_236 = arith.index_cast %mul3A_235 : i32 to index
      %get3A_237 = tpu.vector_load %arg10[%get3A_236] {strides = array<i32>} : memref<25600xi32, #tpu.memory_space<vmem>>, vector<16xi32>,
      %get3A_238 = vector.shape_cast %get3A_237 : vector<16xi32> to vector<16xi32>
      %gt3A_239 = arith.cmpi sgt, %get3A_238, %broadcast_in_dim3A_7 : vector<16xi32>
      %select_n3A_240 = arith.select %gt3A_239, %get3A_238, %broadcast_in_dim3A_9 : vector<16xi1>, vector<16xi32>
      %swap3A_241 = arith.index_cast %mul3A_235 : i32 to index
      %swap3A_242 = tpu.vector_load %arg10[%swap3A_241] {strides = array<i32>} : memref<25600xi32, #tpu.memory_space<vmem>>, vector<16xi32>,
      %swap3A_243 = vector.shape_cast %swap3A_242 : vector<16xi32> to vector<16xi32>
      %swap3A_244 = vector.shape_cast %select_n3A_240 : vector<16xi32> to vector<16xi32>
      tpu.vector_store %arg10[%swap3A_241], %swap3A_244 {strides = array<i32>} : memref<25600xi32, #tpu.memory_space<vmem>>, vector<16xi32>,
      %mul3A_245 = arith.constant 32 : i32
      %mul3A_246 = arith.muli %mul3A_245, %scan3A_75 : i32
      %add3A_247 = arith.constant 7 : i32
      %add3A_248 = arith.addi %mul3A_246, %add3A_247 : i32
      %mul3A_249 = arith.constant 16 : i32
      %mul3A_250 = arith.muli %add3A_248, %mul3A_249 : i32
      %get3A_251 = arith.index_cast %mul3A_250 : i32 to index
      %get3A_252 = tpu.vector_load %arg10[%get3A_251] {strides = array<i32>} : memref<25600xi32, #tpu.memory_space<vmem>>, vector<16xi32>,
      %get3A_253 = vector.shape_cast %get3A_252 : vector<16xi32> to vector<16xi32>
      %gt3A_254 = arith.cmpi sgt, %get3A_253, %broadcast_in_dim3A_7 : vector<16xi32>
      %select_n3A_255 = arith.select %gt3A_254, %get3A_253, %broadcast_in_dim3A_9 : vector<16xi1>, vector<16xi32>
      %swap3A_256 = arith.index_cast %mul3A_250 : i32 to index
      %swap3A_257 = tpu.vector_load %arg10[%swap3A_256] {strides = array<i32>} : memref<25600xi32, #tpu.memory_space<vmem>>, vector<16xi32>,
      %swap3A_258 = vector.shape_cast %swap3A_257 : vector<16xi32> to vector<16xi32>
      %swap3A_259 = vector.shape_cast %select_n3A_255 : vector<16xi32> to vector<16xi32>
      tpu.vector_store %arg10[%swap3A_256], %swap3A_259 {strides = array<i32>} : memref<25600xi32, #tpu.memory_space<vmem>>, vector<16xi32>,
      %mul3A_260 = arith.constant 32 : i32
      %mul3A_261 = arith.muli %mul3A_260, %scan3A_75 : i32
      %add3A_262 = arith.constant 8 : i32
      %add3A_263 = arith.addi %mul3A_261, %add3A_262 : i32
      %mul3A_264 = arith.constant 16 : i32
      %mul3A_265 = arith.muli %add3A_263, %mul3A_264 : i32
      %get3A_266 = arith.index_cast %mul3A_265 : i32 to index
      %get3A_267 = tpu.vector_load %arg10[%get3A_266] {strides = array<i32>} : memref<25600xi32, #tpu.memory_space<vmem>>, vector<16xi32>,
      %get3A_268 = vector.shape_cast %get3A_267 : vector<16xi32> to vector<16xi32>
      %gt3A_269 = arith.cmpi sgt, %get3A_268, %broadcast_in_dim3A_7 : vector<16xi32>
      %select_n3A_270 = arith.select %gt3A_269, %get3A_268, %broadcast_in_dim3A_9 : vector<16xi1>, vector<16xi32>
      %swap3A_271 = arith.index_cast %mul3A_265 : i32 to index
      %swap3A_272 = tpu.vector_load %arg10[%swap3A_271] {strides = array<i32>} : memref<25600xi32, #tpu.memory_space<vmem>>, vector<16xi32>,
      %swap3A_273 = vector.shape_cast %swap3A_272 : vector<16xi32> to vector<16xi32>
      %swap3A_274 = vector.shape_cast %select_n3A_270 : vector<16xi32> to vector<16xi32>
      tpu.vector_store %arg10[%swap3A_271], %swap3A_274 {strides = array<i32>} : memref<25600xi32, #tpu.memory_space<vmem>>, vector<16xi32>,
      %mul3A_275 = arith.constant 32 : i32
      %mul3A_276 = arith.muli %mul3A_275, %scan3A_75 : i32
      %add3A_277 = arith.constant 9 : i32
      %add3A_278 = arith.addi %mul3A_276, %add3A_277 : i32
      %mul3A_279 = arith.constant 16 : i32
      %mul3A_280 = arith.muli %add3A_278, %mul3A_279 : i32
      %get3A_281 = arith.index_cast %mul3A_280 : i32 to index
      %get3A_282 = tpu.vector_load %arg10[%get3A_281] {strides = array<i32>} : memref<25600xi32, #tpu.memory_space<vmem>>, vector<16xi32>,
      %get3A_283 = vector.shape_cast %get3A_282 : vector<16xi32> to vector<16xi32>
      %gt3A_284 = arith.cmpi sgt, %get3A_283, %broadcast_in_dim3A_7 : vector<16xi32>
      %select_n3A_285 = arith.select %gt3A_284, %get3A_283, %broadcast_in_dim3A_9 : vector<16xi1>, vector<16xi32>
      %swap3A_286 = arith.index_cast %mul3A_280 : i32 to index
      %swap3A_287 = tpu.vector_load %arg10[%swap3A_286] {strides = array<i32>} : memref<25600xi32, #tpu.memory_space<vmem>>, vector<16xi32>,
      %swap3A_288 = vector.shape_cast %swap3A_287 : vector<16xi32> to vector<16xi32>
      %swap3A_289 = vector.shape_cast %select_n3A_285 : vector<16xi32> to vector<16xi32>
      tpu.vector_store %arg10[%swap3A_286], %swap3A_289 {strides = array<i32>} : memref<25600xi32, #tpu.memory_space<vmem>>, vector<16xi32>,
      %mul3A_290 = arith.constant 32 : i32
      %mul3A_291 = arith.muli %mul3A_290, %scan3A_75 : i32
      %add3A_292 = arith.constant 10 : i32
      %add3A_293 = arith.addi %mul3A_291, %add3A_292 : i32
      %mul3A_294 = arith.constant 16 : i32
      %mul3A_295 = arith.muli %add3A_293, %mul3A_294 : i32
      %get3A_296 = arith.index_cast %mul3A_295 : i32 to index
      %get3A_297 = tpu.vector_load %arg10[%get3A_296] {strides = array<i32>} : memref<25600xi32, #tpu.memory_space<vmem>>, vector<16xi32>,
      %get3A_298 = vector.shape_cast %get3A_297 : vector<16xi32> to vector<16xi32>
      %gt3A_299 = arith.cmpi sgt, %get3A_298, %broadcast_in_dim3A_7 : vector<16xi32>
      %select_n3A_300 = arith.select %gt3A_299, %get3A_298, %broadcast_in_dim3A_9 : vector<16xi1>, vector<16xi32>
      %swap3A_301 = arith.index_cast %mul3A_295 : i32 to index
      %swap3A_302 = tpu.vector_load %arg10[%swap3A_301] {strides = array<i32>} : memref<25600xi32, #tpu.memory_space<vmem>>, vector<16xi32>,
      %swap3A_303 = vector.shape_cast %swap3A_302 : vector<16xi32> to vector<16xi32>
      %swap3A_304 = vector.shape_cast %select_n3A_300 : vector<16xi32> to vector<16xi32>
      tpu.vector_store %arg10[%swap3A_301], %swap3A_304 {strides = array<i32>} : memref<25600xi32, #tpu.memory_space<vmem>>, vector<16xi32>,
      %mul3A_305 = arith.constant 32 : i32
      %mul3A_306 = arith.muli %mul3A_305, %scan3A_75 : i32
      %add3A_307 = arith.constant 11 : i32
      %add3A_308 = arith.addi %mul3A_306, %add3A_307 : i32
      %mul3A_309 = arith.constant 16 : i32
      %mul3A_310 = arith.muli %add3A_308, %mul3A_309 : i32
      %get3A_311 = arith.index_cast %mul3A_310 : i32 to index
      %get3A_312 = tpu.vector_load %arg10[%get3A_311] {strides = array<i32>} : memref<25600xi32, #tpu.memory_space<vmem>>, vector<16xi32>,
      %get3A_313 = vector.shape_cast %get3A_312 : vector<16xi32> to vector<16xi32>
      %gt3A_314 = arith.cmpi sgt, %get3A_313, %broadcast_in_dim3A_7 : vector<16xi32>
      %select_n3A_315 = arith.select %gt3A_314, %get3A_313, %broadcast_in_dim3A_9 : vector<16xi1>, vector<16xi32>
      %swap3A_316 = arith.index_cast %mul3A_310 : i32 to index
      %swap3A_317 = tpu.vector_load %arg10[%swap3A_316] {strides = array<i32>} : memref<25600xi32, #tpu.memory_space<vmem>>, vector<16xi32>,
      %swap3A_318 = vector.shape_cast %swap3A_317 : vector<16xi32> to vector<16xi32>
      %swap3A_319 = vector.shape_cast %select_n3A_315 : vector<16xi32> to vector<16xi32>
      tpu.vector_store %arg10[%swap3A_316], %swap3A_319 {strides = array<i32>} : memref<25600xi32, #tpu.memory_space<vmem>>, vector<16xi32>,
      %mul3A_320 = arith.constant 32 : i32
      %mul3A_321 = arith.muli %mul3A_320, %scan3A_75 : i32
      %add3A_322 = arith.constant 12 : i32
      %add3A_323 = arith.addi %mul3A_321, %add3A_322 : i32
      %mul3A_324 = arith.constant 16 : i32
      %mul3A_325 = arith.muli %add3A_323, %mul3A_324 : i32
      %get3A_326 = arith.index_cast %mul3A_325 : i32 to index
      %get3A_327 = tpu.vector_load %arg10[%get3A_326] {strides = array<i32>} : memref<25600xi32, #tpu.memory_space<vmem>>, vector<16xi32>,
      %get3A_328 = vector.shape_cast %get3A_327 : vector<16xi32> to vector<16xi32>
      %gt3A_329 = arith.cmpi sgt, %get3A_328, %broadcast_in_dim3A_7 : vector<16xi32>
      %select_n3A_330 = arith.select %gt3A_329, %get3A_328, %broadcast_in_dim3A_9 : vector<16xi1>, vector<16xi32>
      %swap3A_331 = arith.index_cast %mul3A_325 : i32 to index
      %swap3A_332 = tpu.vector_load %arg10[%swap3A_331] {strides = array<i32>} : memref<25600xi32, #tpu.memory_space<vmem>>, vector<16xi32>,
      %swap3A_333 = vector.shape_cast %swap3A_332 : vector<16xi32> to vector<16xi32>
      %swap3A_334 = vector.shape_cast %select_n3A_330 : vector<16xi32> to vector<16xi32>
      tpu.vector_store %arg10[%swap3A_331], %swap3A_334 {strides = array<i32>} : memref<25600xi32, #tpu.memory_space<vmem>>, vector<16xi32>,
      %mul3A_335 = arith.constant 32 : i32
      %mul3A_336 = arith.muli %mul3A_335, %scan3A_75 : i32
      %add3A_337 = arith.constant 13 : i32
      %add3A_338 = arith.addi %mul3A_336, %add3A_337 : i32
      %mul3A_339 = arith.constant 16 : i32
      %mul3A_340 = arith.muli %add3A_338, %mul3A_339 : i32
      %get3A_341 = arith.index_cast %mul3A_340 : i32 to index
      %get3A_342 = tpu.vector_load %arg10[%get3A_341] {strides = array<i32>} : memref<25600xi32, #tpu.memory_space<vmem>>, vector<16xi32>,
      %get3A_343 = vector.shape_cast %get3A_342 : vector<16xi32> to vector<16xi32>
      %gt3A_344 = arith.cmpi sgt, %get3A_343, %broadcast_in_dim3A_7 : vector<16xi32>
      %select_n3A_345 = arith.select %gt3A_344, %get3A_343, %broadcast_in_dim3A_9 : vector<16xi1>, vector<16xi32>
      %swap3A_346 = arith.index_cast %mul3A_340 : i32 to index
      %swap3A_347 = tpu.vector_load %arg10[%swap3A_346] {strides = array<i32>} : memref<25600xi32, #tpu.memory_space<vmem>>, vector<16xi32>,
      %swap3A_348 = vector.shape_cast %swap3A_347 : vector<16xi32> to vector<16xi32>
      %swap3A_349 = vector.shape_cast %select_n3A_345 : vector<16xi32> to vector<16xi32>
      tpu.vector_store %arg10[%swap3A_346], %swap3A_349 {strides = array<i32>} : memref<25600xi32, #tpu.memory_space<vmem>>, vector<16xi32>,
      %mul3A_350 = arith.constant 32 : i32
      %mul3A_351 = arith.muli %mul3A_350, %scan3A_75 : i32
      %add3A_352 = arith.constant 14 : i32
      %add3A_353 = arith.addi %mul3A_351, %add3A_352 : i32
      %mul3A_354 = arith.constant 16 : i32
      %mul3A_355 = arith.muli %add3A_353, %mul3A_354 : i32
      %get3A_356 = arith.index_cast %mul3A_355 : i32 to index
      %get3A_357 = tpu.vector_load %arg10[%get3A_356] {strides = array<i32>} : memref<25600xi32, #tpu.memory_space<vmem>>, vector<16xi32>,
      %get3A_358 = vector.shape_cast %get3A_357 : vector<16xi32> to vector<16xi32>
      %gt3A_359 = arith.cmpi sgt, %get3A_358, %broadcast_in_dim3A_7 : vector<16xi32>
      %select_n3A_360 = arith.select %gt3A_359, %get3A_358, %broadcast_in_dim3A_9 : vector<16xi1>, vector<16xi32>
      %swap3A_361 = arith.index_cast %mul3A_355 : i32 to index
      %swap3A_362 = tpu.vector_load %arg10[%swap3A_361] {strides = array<i32>} : memref<25600xi32, #tpu.memory_space<vmem>>, vector<16xi32>,
      %swap3A_363 = vector.shape_cast %swap3A_362 : vector<16xi32> to vector<16xi32>
      %swap3A_364 = vector.shape_cast %select_n3A_360 : vector<16xi32> to vector<16xi32>
      tpu.vector_store %arg10[%swap3A_361], %swap3A_364 {strides = array<i32>} : memref<25600xi32, #tpu.memory_space<vmem>>, vector<16xi32>,
      %mul3A_365 = arith.constant 32 : i32
      %mul3A_366 = arith.muli %mul3A_365, %scan3A_75 : i32
      %add3A_367 = arith.constant 15 : i32
      %add3A_368 = arith.addi %mul3A_366, %add3A_367 : i32
      %mul3A_369 = arith.constant 16 : i32
      %mul3A_370 = arith.muli %add3A_368, %mul3A_369 : i32
      %get3A_371 = arith.index_cast %mul3A_370 : i32 to index
      %get3A_372 = tpu.vector_load %arg10[%get3A_371] {strides = array<i32>} : memref<25600xi32, #tpu.memory_space<vmem>>, vector<16xi32>,
      %get3A_373 = vector.shape_cast %get3A_372 : vector<16xi32> to vector<16xi32>
      %gt3A_374 = arith.cmpi sgt, %get3A_373, %broadcast_in_dim3A_7 : vector<16xi32>
      %select_n3A_375 = arith.select %gt3A_374, %get3A_373, %broadcast_in_dim3A_9 : vector<16xi1>, vector<16xi32>
      %swap3A_376 = arith.index_cast %mul3A_370 : i32 to index
      %swap3A_377 = tpu.vector_load %arg10[%swap3A_376] {strides = array<i32>} : memref<25600xi32, #tpu.memory_space<vmem>>, vector<16xi32>,
      %swap3A_378 = vector.shape_cast %swap3A_377 : vector<16xi32> to vector<16xi32>
      %swap3A_379 = vector.shape_cast %select_n3A_375 : vector<16xi32> to vector<16xi32>
      tpu.vector_store %arg10[%swap3A_376], %swap3A_379 {strides = array<i32>} : memref<25600xi32, #tpu.memory_space<vmem>>, vector<16xi32>,
      %mul3A_380 = arith.constant 32 : i32
      %mul3A_381 = arith.muli %mul3A_380, %scan3A_75 : i32
      %add3A_382 = arith.constant 16 : i32
      %add3A_383 = arith.addi %mul3A_381, %add3A_382 : i32
      %mul3A_384 = arith.constant 16 : i32
      %mul3A_385 = arith.muli %add3A_383, %mul3A_384 : i32
      %get3A_386 = arith.index_cast %mul3A_385 : i32 to index
      %get3A_387 = tpu.vector_load %arg10[%get3A_386] {strides = array<i32>} : memref<25600xi32, #tpu.memory_space<vmem>>, vector<16xi32>,
      %get3A_388 = vector.shape_cast %get3A_387 : vector<16xi32> to vector<16xi32>
      %gt3A_389 = arith.cmpi sgt, %get3A_388, %broadcast_in_dim3A_7 : vector<16xi32>
      %select_n3A_390 = arith.select %gt3A_389, %get3A_388, %broadcast_in_dim3A_9 : vector<16xi1>, vector<16xi32>
      %swap3A_391 = arith.index_cast %mul3A_385 : i32 to index
      %swap3A_392 = tpu.vector_load %arg10[%swap3A_391] {strides = array<i32>} : memref<25600xi32, #tpu.memory_space<vmem>>, vector<16xi32>,
      %swap3A_393 = vector.shape_cast %swap3A_392 : vector<16xi32> to vector<16xi32>
      %swap3A_394 = vector.shape_cast %select_n3A_390 : vector<16xi32> to vector<16xi32>
      tpu.vector_store %arg10[%swap3A_391], %swap3A_394 {strides = array<i32>} : memref<25600xi32, #tpu.memory_space<vmem>>, vector<16xi32>,
      %mul3A_395 = arith.constant 32 : i32
      %mul3A_396 = arith.muli %mul3A_395, %scan3A_75 : i32
      %add3A_397 = arith.constant 17 : i32
      %add3A_398 = arith.addi %mul3A_396, %add3A_397 : i32
      %mul3A_399 = arith.constant 16 : i32
      %mul3A_400 = arith.muli %add3A_398, %mul3A_399 : i32
      %get3A_401 = arith.index_cast %mul3A_400 : i32 to index
      %get3A_402 = tpu.vector_load %arg10[%get3A_401] {strides = array<i32>} : memref<25600xi32, #tpu.memory_space<vmem>>, vector<16xi32>,
      %get3A_403 = vector.shape_cast %get3A_402 : vector<16xi32> to vector<16xi32>
      %gt3A_404 = arith.cmpi sgt, %get3A_403, %broadcast_in_dim3A_7 : vector<16xi32>
      %select_n3A_405 = arith.select %gt3A_404, %get3A_403, %broadcast_in_dim3A_9 : vector<16xi1>, vector<16xi32>
      %swap3A_406 = arith.index_cast %mul3A_400 : i32 to index
      %swap3A_407 = tpu.vector_load %arg10[%swap3A_406] {strides = array<i32>} : memref<25600xi32, #tpu.memory_space<vmem>>, vector<16xi32>,
      %swap3A_408 = vector.shape_cast %swap3A_407 : vector<16xi32> to vector<16xi32>
      %swap3A_409 = vector.shape_cast %select_n3A_405 : vector<16xi32> to vector<16xi32>
      tpu.vector_store %arg10[%swap3A_406], %swap3A_409 {strides = array<i32>} : memref<25600xi32, #tpu.memory_space<vmem>>, vector<16xi32>,
      %mul3A_410 = arith.constant 32 : i32
      %mul3A_411 = arith.muli %mul3A_410, %scan3A_75 : i32
      %add3A_412 = arith.constant 18 : i32
      %add3A_413 = arith.addi %mul3A_411, %add3A_412 : i32
      %mul3A_414 = arith.constant 16 : i32
      %mul3A_415 = arith.muli %add3A_413, %mul3A_414 : i32
      %get3A_416 = arith.index_cast %mul3A_415 : i32 to index
      %get3A_417 = tpu.vector_load %arg10[%get3A_416] {strides = array<i32>} : memref<25600xi32, #tpu.memory_space<vmem>>, vector<16xi32>,
      %get3A_418 = vector.shape_cast %get3A_417 : vector<16xi32> to vector<16xi32>
      %gt3A_419 = arith.cmpi sgt, %get3A_418, %broadcast_in_dim3A_7 : vector<16xi32>
      %select_n3A_420 = arith.select %gt3A_419, %get3A_418, %broadcast_in_dim3A_9 : vector<16xi1>, vector<16xi32>
      %swap3A_421 = arith.index_cast %mul3A_415 : i32 to index
      %swap3A_422 = tpu.vector_load %arg10[%swap3A_421] {strides = array<i32>} : memref<25600xi32, #tpu.memory_space<vmem>>, vector<16xi32>,
      %swap3A_423 = vector.shape_cast %swap3A_422 : vector<16xi32> to vector<16xi32>
      %swap3A_424 = vector.shape_cast %select_n3A_420 : vector<16xi32> to vector<16xi32>
      tpu.vector_store %arg10[%swap3A_421], %swap3A_424 {strides = array<i32>} : memref<25600xi32, #tpu.memory_space<vmem>>, vector<16xi32>,
      %mul3A_425 = arith.constant 32 : i32
      %mul3A_426 = arith.muli %mul3A_425, %scan3A_75 : i32
      %add3A_427 = arith.constant 19 : i32
      %add3A_428 = arith.addi %mul3A_426, %add3A_427 : i32
      %mul3A_429 = arith.constant 16 : i32
      %mul3A_430 = arith.muli %add3A_428, %mul3A_429 : i32
      %get3A_431 = arith.index_cast %mul3A_430 : i32 to index
      %get3A_432 = tpu.vector_load %arg10[%get3A_431] {strides = array<i32>} : memref<25600xi32, #tpu.memory_space<vmem>>, vector<16xi32>,
      %get3A_433 = vector.shape_cast %get3A_432 : vector<16xi32> to vector<16xi32>
      %gt3A_434 = arith.cmpi sgt, %get3A_433, %broadcast_in_dim3A_7 : vector<16xi32>
      %select_n3A_435 = arith.select %gt3A_434, %get3A_433, %broadcast_in_dim3A_9 : vector<16xi1>, vector<16xi32>
      %swap3A_436 = arith.index_cast %mul3A_430 : i32 to index
      %swap3A_437 = tpu.vector_load %arg10[%swap3A_436] {strides = array<i32>} : memref<25600xi32, #tpu.memory_space<vmem>>, vector<16xi32>,
      %swap3A_438 = vector.shape_cast %swap3A_437 : vector<16xi32> to vector<16xi32>
      %swap3A_439 = vector.shape_cast %select_n3A_435 : vector<16xi32> to vector<16xi32>
      tpu.vector_store %arg10[%swap3A_436], %swap3A_439 {strides = array<i32>} : memref<25600xi32, #tpu.memory_space<vmem>>, vector<16xi32>,
      %mul3A_440 = arith.constant 32 : i32
      %mul3A_441 = arith.muli %mul3A_440, %scan3A_75 : i32
      %add3A_442 = arith.constant 20 : i32
      %add3A_443 = arith.addi %mul3A_441, %add3A_442 : i32
      %mul3A_444 = arith.constant 16 : i32
      %mul3A_445 = arith.muli %add3A_443, %mul3A_444 : i32
      %get3A_446 = arith.index_cast %mul3A_445 : i32 to index
      %get3A_447 = tpu.vector_load %arg10[%get3A_446] {strides = array<i32>} : memref<25600xi32, #tpu.memory_space<vmem>>, vector<16xi32>,
      %get3A_448 = vector.shape_cast %get3A_447 : vector<16xi32> to vector<16xi32>
      %gt3A_449 = arith.cmpi sgt, %get3A_448, %broadcast_in_dim3A_7 : vector<16xi32>
      %select_n3A_450 = arith.select %gt3A_449, %get3A_448, %broadcast_in_dim3A_9 : vector<16xi1>, vector<16xi32>
      %swap3A_451 = arith.index_cast %mul3A_445 : i32 to index
      %swap3A_452 = tpu.vector_load %arg10[%swap3A_451] {strides = array<i32>} : memref<25600xi32, #tpu.memory_space<vmem>>, vector<16xi32>,
      %swap3A_453 = vector.shape_cast %swap3A_452 : vector<16xi32> to vector<16xi32>
      %swap3A_454 = vector.shape_cast %select_n3A_450 : vector<16xi32> to vector<16xi32>
      tpu.vector_store %arg10[%swap3A_451], %swap3A_454 {strides = array<i32>} : memref<25600xi32, #tpu.memory_space<vmem>>, vector<16xi32>,
      %mul3A_455 = arith.constant 32 : i32
      %mul3A_456 = arith.muli %mul3A_455, %scan3A_75 : i32
      %add3A_457 = arith.constant 21 : i32
      %add3A_458 = arith.addi %mul3A_456, %add3A_457 : i32
      %mul3A_459 = arith.constant 16 : i32
      %mul3A_460 = arith.muli %add3A_458, %mul3A_459 : i32
      %get3A_461 = arith.index_cast %mul3A_460 : i32 to index
      %get3A_462 = tpu.vector_load %arg10[%get3A_461] {strides = array<i32>} : memref<25600xi32, #tpu.memory_space<vmem>>, vector<16xi32>,
      %get3A_463 = vector.shape_cast %get3A_462 : vector<16xi32> to vector<16xi32>
      %gt3A_464 = arith.cmpi sgt, %get3A_463, %broadcast_in_dim3A_7 : vector<16xi32>
      %select_n3A_465 = arith.select %gt3A_464, %get3A_463, %broadcast_in_dim3A_9 : vector<16xi1>, vector<16xi32>
      %swap3A_466 = arith.index_cast %mul3A_460 : i32 to index
      %swap3A_467 = tpu.vector_load %arg10[%swap3A_466] {strides = array<i32>} : memref<25600xi32, #tpu.memory_space<vmem>>, vector<16xi32>,
      %swap3A_468 = vector.shape_cast %swap3A_467 : vector<16xi32> to vector<16xi32>
      %swap3A_469 = vector.shape_cast %select_n3A_465 : vector<16xi32> to vector<16xi32>
      tpu.vector_store %arg10[%swap3A_466], %swap3A_469 {strides = array<i32>} : memref<25600xi32, #tpu.memory_space<vmem>>, vector<16xi32>,
      %mul3A_470 = arith.constant 32 : i32
      %mul3A_471 = arith.muli %mul3A_470, %scan3A_75 : i32
      %add3A_472 = arith.constant 22 : i32
      %add3A_473 = arith.addi %mul3A_471, %add3A_472 : i32
      %mul3A_474 = arith.constant 16 : i32
      %mul3A_475 = arith.muli %add3A_473, %mul3A_474 : i32
      %get3A_476 = arith.index_cast %mul3A_475 : i32 to index
      %get3A_477 = tpu.vector_load %arg10[%get3A_476] {strides = array<i32>} : memref<25600xi32, #tpu.memory_space<vmem>>, vector<16xi32>,
      %get3A_478 = vector.shape_cast %get3A_477 : vector<16xi32> to vector<16xi32>
      %gt3A_479 = arith.cmpi sgt, %get3A_478, %broadcast_in_dim3A_7 : vector<16xi32>
      %select_n3A_480 = arith.select %gt3A_479, %get3A_478, %broadcast_in_dim3A_9 : vector<16xi1>, vector<16xi32>
      %swap3A_481 = arith.index_cast %mul3A_475 : i32 to index
      %swap3A_482 = tpu.vector_load %arg10[%swap3A_481] {strides = array<i32>} : memref<25600xi32, #tpu.memory_space<vmem>>, vector<16xi32>,
      %swap3A_483 = vector.shape_cast %swap3A_482 : vector<16xi32> to vector<16xi32>
      %swap3A_484 = vector.shape_cast %select_n3A_480 : vector<16xi32> to vector<16xi32>
      tpu.vector_store %arg10[%swap3A_481], %swap3A_484 {strides = array<i32>} : memref<25600xi32, #tpu.memory_space<vmem>>, vector<16xi32>,
      %mul3A_485 = arith.constant 32 : i32
      %mul3A_486 = arith.muli %mul3A_485, %scan3A_75 : i32
      %add3A_487 = arith.constant 23 : i32
      %add3A_488 = arith.addi %mul3A_486, %add3A_487 : i32
      %mul3A_489 = arith.constant 16 : i32
      %mul3A_490 = arith.muli %add3A_488, %mul3A_489 : i32
      %get3A_491 = arith.index_cast %mul3A_490 : i32 to index
      %get3A_492 = tpu.vector_load %arg10[%get3A_491] {strides = array<i32>} : memref<25600xi32, #tpu.memory_space<vmem>>, vector<16xi32>,
      %get3A_493 = vector.shape_cast %get3A_492 : vector<16xi32> to vector<16xi32>
      %gt3A_494 = arith.cmpi sgt, %get3A_493, %broadcast_in_dim3A_7 : vector<16xi32>
      %select_n3A_495 = arith.select %gt3A_494, %get3A_493, %broadcast_in_dim3A_9 : vector<16xi1>, vector<16xi32>
      %swap3A_496 = arith.index_cast %mul3A_490 : i32 to index
      %swap3A_497 = tpu.vector_load %arg10[%swap3A_496] {strides = array<i32>} : memref<25600xi32, #tpu.memory_space<vmem>>, vector<16xi32>,
      %swap3A_498 = vector.shape_cast %swap3A_497 : vector<16xi32> to vector<16xi32>
      %swap3A_499 = vector.shape_cast %select_n3A_495 : vector<16xi32> to vector<16xi32>
      tpu.vector_store %arg10[%swap3A_496], %swap3A_499 {strides = array<i32>} : memref<25600xi32, #tpu.memory_space<vmem>>, vector<16xi32>,
      %mul3A_500 = arith.constant 32 : i32
      %mul3A_501 = arith.muli %mul3A_500, %scan3A_75 : i32
      %add3A_502 = arith.constant 24 : i32
      %add3A_503 = arith.addi %mul3A_501, %add3A_502 : i32
      %mul3A_504 = arith.constant 16 : i32
      %mul3A_505 = arith.muli %add3A_503, %mul3A_504 : i32
      %get3A_506 = arith.index_cast %mul3A_505 : i32 to index
      %get3A_507 = tpu.vector_load %arg10[%get3A_506] {strides = array<i32>} : memref<25600xi32, #tpu.memory_space<vmem>>, vector<16xi32>,
      %get3A_508 = vector.shape_cast %get3A_507 : vector<16xi32> to vector<16xi32>
      %gt3A_509 = arith.cmpi sgt, %get3A_508, %broadcast_in_dim3A_7 : vector<16xi32>
      %select_n3A_510 = arith.select %gt3A_509, %get3A_508, %broadcast_in_dim3A_9 : vector<16xi1>, vector<16xi32>
      %swap3A_511 = arith.index_cast %mul3A_505 : i32 to index
      %swap3A_512 = tpu.vector_load %arg10[%swap3A_511] {strides = array<i32>} : memref<25600xi32, #tpu.memory_space<vmem>>, vector<16xi32>,
      %swap3A_513 = vector.shape_cast %swap3A_512 : vector<16xi32> to vector<16xi32>
      %swap3A_514 = vector.shape_cast %select_n3A_510 : vector<16xi32> to vector<16xi32>
      tpu.vector_store %arg10[%swap3A_511], %swap3A_514 {strides = array<i32>} : memref<25600xi32, #tpu.memory_space<vmem>>, vector<16xi32>,
      %mul3A_515 = arith.constant 32 : i32
      %mul3A_516 = arith.muli %mul3A_515, %scan3A_75 : i32
      %add3A_517 = arith.constant 25 : i32
      %add3A_518 = arith.addi %mul3A_516, %add3A_517 : i32
      %mul3A_519 = arith.constant 16 : i32
      %mul3A_520 = arith.muli %add3A_518, %mul3A_519 : i32
      %get3A_521 = arith.index_cast %mul3A_520 : i32 to index
      %get3A_522 = tpu.vector_load %arg10[%get3A_521] {strides = array<i32>} : memref<25600xi32, #tpu.memory_space<vmem>>, vector<16xi32>,
      %get3A_523 = vector.shape_cast %get3A_522 : vector<16xi32> to vector<16xi32>
      %gt3A_524 = arith.cmpi sgt, %get3A_523, %broadcast_in_dim3A_7 : vector<16xi32>
      %select_n3A_525 = arith.select %gt3A_524, %get3A_523, %broadcast_in_dim3A_9 : vector<16xi1>, vector<16xi32>
      %swap3A_526 = arith.index_cast %mul3A_520 : i32 to index
      %swap3A_527 = tpu.vector_load %arg10[%swap3A_526] {strides = array<i32>} : memref<25600xi32, #tpu.memory_space<vmem>>, vector<16xi32>,
      %swap3A_528 = vector.shape_cast %swap3A_527 : vector<16xi32> to vector<16xi32>
      %swap3A_529 = vector.shape_cast %select_n3A_525 : vector<16xi32> to vector<16xi32>
      tpu.vector_store %arg10[%swap3A_526], %swap3A_529 {strides = array<i32>} : memref<25600xi32, #tpu.memory_space<vmem>>, vector<16xi32>,
      %mul3A_530 = arith.constant 32 : i32
      %mul3A_531 = arith.muli %mul3A_530, %scan3A_75 : i32
      %add3A_532 = arith.constant 26 : i32
      %add3A_533 = arith.addi %mul3A_531, %add3A_532 : i32
      %mul3A_534 = arith.constant 16 : i32
      %mul3A_535 = arith.muli %add3A_533, %mul3A_534 : i32
      %get3A_536 = arith.index_cast %mul3A_535 : i32 to index
      %get3A_537 = tpu.vector_load %arg10[%get3A_536] {strides = array<i32>} : memref<25600xi32, #tpu.memory_space<vmem>>, vector<16xi32>,
      %get3A_538 = vector.shape_cast %get3A_537 : vector<16xi32> to vector<16xi32>
      %gt3A_539 = arith.cmpi sgt, %get3A_538, %broadcast_in_dim3A_7 : vector<16xi32>
      %select_n3A_540 = arith.select %gt3A_539, %get3A_538, %broadcast_in_dim3A_9 : vector<16xi1>, vector<16xi32>
      %swap3A_541 = arith.index_cast %mul3A_535 : i32 to index
      %swap3A_542 = tpu.vector_load %arg10[%swap3A_541] {strides = array<i32>} : memref<25600xi32, #tpu.memory_space<vmem>>, vector<16xi32>,
      %swap3A_543 = vector.shape_cast %swap3A_542 : vector<16xi32> to vector<16xi32>
      %swap3A_544 = vector.shape_cast %select_n3A_540 : vector<16xi32> to vector<16xi32>
      tpu.vector_store %arg10[%swap3A_541], %swap3A_544 {strides = array<i32>} : memref<25600xi32, #tpu.memory_space<vmem>>, vector<16xi32>,
      %mul3A_545 = arith.constant 32 : i32
      %mul3A_546 = arith.muli %mul3A_545, %scan3A_75 : i32
      %add3A_547 = arith.constant 27 : i32
      %add3A_548 = arith.addi %mul3A_546, %add3A_547 : i32
      %mul3A_549 = arith.constant 16 : i32
      %mul3A_550 = arith.muli %add3A_548, %mul3A_549 : i32
      %get3A_551 = arith.index_cast %mul3A_550 : i32 to index
      %get3A_552 = tpu.vector_load %arg10[%get3A_551] {strides = array<i32>} : memref<25600xi32, #tpu.memory_space<vmem>>, vector<16xi32>,
      %get3A_553 = vector.shape_cast %get3A_552 : vector<16xi32> to vector<16xi32>
      %gt3A_554 = arith.cmpi sgt, %get3A_553, %broadcast_in_dim3A_7 : vector<16xi32>
      %select_n3A_555 = arith.select %gt3A_554, %get3A_553, %broadcast_in_dim3A_9 : vector<16xi1>, vector<16xi32>
      %swap3A_556 = arith.index_cast %mul3A_550 : i32 to index
      %swap3A_557 = tpu.vector_load %arg10[%swap3A_556] {strides = array<i32>} : memref<25600xi32, #tpu.memory_space<vmem>>, vector<16xi32>,
      %swap3A_558 = vector.shape_cast %swap3A_557 : vector<16xi32> to vector<16xi32>
      %swap3A_559 = vector.shape_cast %select_n3A_555 : vector<16xi32> to vector<16xi32>
      tpu.vector_store %arg10[%swap3A_556], %swap3A_559 {strides = array<i32>} : memref<25600xi32, #tpu.memory_space<vmem>>, vector<16xi32>,
      %mul3A_560 = arith.constant 32 : i32
      %mul3A_561 = arith.muli %mul3A_560, %scan3A_75 : i32
      %add3A_562 = arith.constant 28 : i32
      %add3A_563 = arith.addi %mul3A_561, %add3A_562 : i32
      %mul3A_564 = arith.constant 16 : i32
      %mul3A_565 = arith.muli %add3A_563, %mul3A_564 : i32
      %get3A_566 = arith.index_cast %mul3A_565 : i32 to index
      %get3A_567 = tpu.vector_load %arg10[%get3A_566] {strides = array<i32>} : memref<25600xi32, #tpu.memory_space<vmem>>, vector<16xi32>,
      %get3A_568 = vector.shape_cast %get3A_567 : vector<16xi32> to vector<16xi32>
      %gt3A_569 = arith.cmpi sgt, %get3A_568, %broadcast_in_dim3A_7 : vector<16xi32>
      %select_n3A_570 = arith.select %gt3A_569, %get3A_568, %broadcast_in_dim3A_9 : vector<16xi1>, vector<16xi32>
      %swap3A_571 = arith.index_cast %mul3A_565 : i32 to index
      %swap3A_572 = tpu.vector_load %arg10[%swap3A_571] {strides = array<i32>} : memref<25600xi32, #tpu.memory_space<vmem>>, vector<16xi32>,
      %swap3A_573 = vector.shape_cast %swap3A_572 : vector<16xi32> to vector<16xi32>
      %swap3A_574 = vector.shape_cast %select_n3A_570 : vector<16xi32> to vector<16xi32>
      tpu.vector_store %arg10[%swap3A_571], %swap3A_574 {strides = array<i32>} : memref<25600xi32, #tpu.memory_space<vmem>>, vector<16xi32>,
      %mul3A_575 = arith.constant 32 : i32
      %mul3A_576 = arith.muli %mul3A_575, %scan3A_75 : i32
      %add3A_577 = arith.constant 29 : i32
      %add3A_578 = arith.addi %mul3A_576, %add3A_577 : i32
      %mul3A_579 = arith.constant 16 : i32
      %mul3A_580 = arith.muli %add3A_578, %mul3A_579 : i32
      %get3A_581 = arith.index_cast %mul3A_580 : i32 to index
      %get3A_582 = tpu.vector_load %arg10[%get3A_581] {strides = array<i32>} : memref<25600xi32, #tpu.memory_space<vmem>>, vector<16xi32>,
      %get3A_583 = vector.shape_cast %get3A_582 : vector<16xi32> to vector<16xi32>
      %gt3A_584 = arith.cmpi sgt, %get3A_583, %broadcast_in_dim3A_7 : vector<16xi32>
      %select_n3A_585 = arith.select %gt3A_584, %get3A_583, %broadcast_in_dim3A_9 : vector<16xi1>, vector<16xi32>
      %swap3A_586 = arith.index_cast %mul3A_580 : i32 to index
      %swap3A_587 = tpu.vector_load %arg10[%swap3A_586] {strides = array<i32>} : memref<25600xi32, #tpu.memory_space<vmem>>, vector<16xi32>,
      %swap3A_588 = vector.shape_cast %swap3A_587 : vector<16xi32> to vector<16xi32>
      %swap3A_589 = vector.shape_cast %select_n3A_585 : vector<16xi32> to vector<16xi32>
      tpu.vector_store %arg10[%swap3A_586], %swap3A_589 {strides = array<i32>} : memref<25600xi32, #tpu.memory_space<vmem>>, vector<16xi32>,
      %mul3A_590 = arith.constant 32 : i32
      %mul3A_591 = arith.muli %mul3A_590, %scan3A_75 : i32
      %add3A_592 = arith.constant 30 : i32
      %add3A_593 = arith.addi %mul3A_591, %add3A_592 : i32
      %mul3A_594 = arith.constant 16 : i32
      %mul3A_595 = arith.muli %add3A_593, %mul3A_594 : i32
      %get3A_596 = arith.index_cast %mul3A_595 : i32 to index
      %get3A_597 = tpu.vector_load %arg10[%get3A_596] {strides = array<i32>} : memref<25600xi32, #tpu.memory_space<vmem>>, vector<16xi32>,
      %get3A_598 = vector.shape_cast %get3A_597 : vector<16xi32> to vector<16xi32>
      %gt3A_599 = arith.cmpi sgt, %get3A_598, %broadcast_in_dim3A_7 : vector<16xi32>
      %select_n3A_600 = arith.select %gt3A_599, %get3A_598, %broadcast_in_dim3A_9 : vector<16xi1>, vector<16xi32>
      %swap3A_601 = arith.index_cast %mul3A_595 : i32 to index
      %swap3A_602 = tpu.vector_load %arg10[%swap3A_601] {strides = array<i32>} : memref<25600xi32, #tpu.memory_space<vmem>>, vector<16xi32>,
      %swap3A_603 = vector.shape_cast %swap3A_602 : vector<16xi32> to vector<16xi32>
      %swap3A_604 = vector.shape_cast %select_n3A_600 : vector<16xi32> to vector<16xi32>
      tpu.vector_store %arg10[%swap3A_601], %swap3A_604 {strides = array<i32>} : memref<25600xi32, #tpu.memory_space<vmem>>, vector<16xi32>,
      %mul3A_605 = arith.constant 32 : i32
      %mul3A_606 = arith.muli %mul3A_605, %scan3A_75 : i32
      %add3A_607 = arith.constant 31 : i32
      %add3A_608 = arith.addi %mul3A_606, %add3A_607 : i32
      %mul3A_609 = arith.constant 16 : i32
      %mul3A_610 = arith.muli %add3A_608, %mul3A_609 : i32
      %get3A_611 = arith.index_cast %mul3A_610 : i32 to index
      %get3A_612 = tpu.vector_load %arg10[%get3A_611] {strides = array<i32>} : memref<25600xi32, #tpu.memory_space<vmem>>, vector<16xi32>,
      %get3A_613 = vector.shape_cast %get3A_612 : vector<16xi32> to vector<16xi32>
      %gt3A_614 = arith.cmpi sgt, %get3A_613, %broadcast_in_dim3A_7 : vector<16xi32>
      %select_n3A_615 = arith.select %gt3A_614, %get3A_613, %broadcast_in_dim3A_9 : vector<16xi1>, vector<16xi32>
      %swap3A_616 = arith.index_cast %mul3A_610 : i32 to index
      %swap3A_617 = tpu.vector_load %arg10[%swap3A_616] {strides = array<i32>} : memref<25600xi32, #tpu.memory_space<vmem>>, vector<16xi32>,
      %swap3A_618 = vector.shape_cast %swap3A_617 : vector<16xi32> to vector<16xi32>
      %swap3A_619 = vector.shape_cast %select_n3A_615 : vector<16xi32> to vector<16xi32>
      tpu.vector_store %arg10[%swap3A_616], %swap3A_619 {strides = array<i32>} : memref<25600xi32, #tpu.memory_space<vmem>>, vector<16xi32>,
      %mul3A_620 = arith.constant 4 : i32
      %mul3A_621 = arith.muli %mul3A_620, %scan3A_75 : i32
      %add3A_622 = arith.constant 0 : i32
      %add3A_623 = arith.addi %mul3A_621, %add3A_622 : i32
      %mul3A_624 = arith.constant 128 : i32
      %mul3A_625 = arith.muli %add3A_623, %mul3A_624 : i32
      %add3A_626 = arith.addi %mul3A_20, %mul3A_625 : i32
      %dma_wait3A_627 = arith.constant 0 : i32
      %dma_wait3A_628 = tpu.memref_slice %arg7[%add3A_626, %dma_wait3A_627] : memref<819200x128xf32, #tpu.memory_space<hbm>> -> memref<128x128xf32, #tpu.memory_space<hbm>>
      %dma_wait3A_629 = arith.constant 0 : i32
      %dma_wait3A_630 = tpu.memref_slice %arg7[%add3A_626, %dma_wait3A_629] : memref<819200x128xf32, #tpu.memory_space<hbm>> -> memref<128x128xf32, #tpu.memory_space<hbm>>
      tpu.wait_dma2 semaphore(%arg21 : memref<!tpu.dma_semaphore, #tpu.memory_space<semaphore_mem>>) src(%arg11 : memref<128x128xf32, #tpu.memory_space<vmem>>) dst(%dma_wait3A_630 : memref<128x128xf32, #tpu.memory_space<hbm>>)
      %add3A_631 = arith.constant 4 : i32
      %add3A_632 = arith.addi %add3A_623, %add3A_631 : i32
      %lt3A = arith.constant 200 : i32
      %lt3A_633 = arith.cmpi slt, %add3A_632, %lt3A : i32
      %convert_element_type3A = arith.extui %lt3A_633 : i1 to i32
      %cond3A = arith.constant 0 : i32
      %cond3A_634 = arith.cmpi ne, %convert_element_type3A, %cond3A : i32
      scf.if %cond3A_634 {
        %add3A_689 = arith.constant 4 : i32
        %add3A_690 = arith.addi %add3A_623, %add3A_689 : i32
        %mul3A_691 = arith.constant 128 : i32
        %mul3A_692 = arith.muli %add3A_690, %mul3A_691 : i32
        %dma_start3A_693 = tpu.memref_slice %arg9[%mul3A_692] : memref<25600xi32, #tpu.memory_space<vmem>> -> memref<128xi32, #tpu.memory_space<vmem>>
        %dma_start3A_694 = arith.constant 0 : i32
        %dma_start3A_695 = arith.constant 0 : i32
        %dma_start3A_696 = tpu.memref_slice %arg5[%dma_start3A_694, %dma_start3A_695] : memref<100002x128xf32, #tpu.memory_space<hbm>> -> memref<100002x128xf32, #tpu.memory_space<hbm>>
        tpu.enqueue_indirect_dma source(%dma_start3A_696 : memref<100002x128xf32, #tpu.memory_space<hbm>>) target(%arg11 : memref<128x128xf32, #tpu.memory_space<vmem>>) offsets(%dma_start3A_693 : memref<128xi32, #tpu.memory_space<vmem>>) semaphore(%arg17 : memref<!tpu.dma_semaphore, #tpu.memory_space<semaphore_mem>>)
      } else {
      }
      %mul3A_635 = arith.constant 4 : i32
      %mul3A_636 = arith.muli %mul3A_635, %scan3A_75 : i32
      %add3A_637 = arith.constant 1 : i32
      %add3A_638 = arith.addi %mul3A_636, %add3A_637 : i32
      %mul3A_639 = arith.constant 128 : i32
      %mul3A_640 = arith.muli %add3A_638, %mul3A_639 : i32
      %add3A_641 = arith.addi %mul3A_20, %mul3A_640 : i32
      %dma_wait3A_642 = arith.constant 0 : i32
      %dma_wait3A_643 = tpu.memref_slice %arg7[%add3A_641, %dma_wait3A_642] : memref<819200x128xf32, #tpu.memory_space<hbm>> -> memref<128x128xf32, #tpu.memory_space<hbm>>
      %dma_wait3A_644 = arith.constant 0 : i32
      %dma_wait3A_645 = tpu.memref_slice %arg7[%add3A_641, %dma_wait3A_644] : memref<819200x128xf32, #tpu.memory_space<hbm>> -> memref<128x128xf32, #tpu.memory_space<hbm>>
      tpu.wait_dma2 semaphore(%arg22 : memref<!tpu.dma_semaphore, #tpu.memory_space<semaphore_mem>>) src(%arg12 : memref<128x128xf32, #tpu.memory_space<vmem>>) dst(%dma_wait3A_645 : memref<128x128xf32, #tpu.memory_space<hbm>>)
      %add3A_646 = arith.constant 4 : i32
      %add3A_647 = arith.addi %add3A_638, %add3A_646 : i32
      %lt3A_648 = arith.constant 200 : i32
      %lt3A_649 = arith.cmpi slt, %add3A_647, %lt3A_648 : i32
      %convert_element_type3A_650 = arith.extui %lt3A_649 : i1 to i32
      %cond3A_651 = arith.constant 0 : i32
      %cond3A_652 = arith.cmpi ne, %convert_element_type3A_650, %cond3A_651 : i32
      scf.if %cond3A_652 {
        %add3A_689 = arith.constant 4 : i32
        %add3A_690 = arith.addi %add3A_638, %add3A_689 : i32
        %mul3A_691 = arith.constant 128 : i32
        %mul3A_692 = arith.muli %add3A_690, %mul3A_691 : i32
        %dma_start3A_693 = tpu.memref_slice %arg9[%mul3A_692] : memref<25600xi32, #tpu.memory_space<vmem>> -> memref<128xi32, #tpu.memory_space<vmem>>
        %dma_start3A_694 = arith.constant 0 : i32
        %dma_start3A_695 = arith.constant 0 : i32
        %dma_start3A_696 = tpu.memref_slice %arg5[%dma_start3A_694, %dma_start3A_695] : memref<100002x128xf32, #tpu.memory_space<hbm>> -> memref<100002x128xf32, #tpu.memory_space<hbm>>
        tpu.enqueue_indirect_dma source(%dma_start3A_696 : memref<100002x128xf32, #tpu.memory_space<hbm>>) target(%arg12 : memref<128x128xf32, #tpu.memory_space<vmem>>) offsets(%dma_start3A_693 : memref<128xi32, #tpu.memory_space<vmem>>) semaphore(%arg18 : memref<!tpu.dma_semaphore, #tpu.memory_space<semaphore_mem>>)
      } else {
      }
      %mul3A_653 = arith.constant 4 : i32
      %mul3A_654 = arith.muli %mul3A_653, %scan3A_75 : i32
      %add3A_655 = arith.constant 2 : i32
      %add3A_656 = arith.addi %mul3A_654, %add3A_655 : i32
      %mul3A_657 = arith.constant 128 : i32
      %mul3A_658 = arith.muli %add3A_656, %mul3A_657 : i32
      %add3A_659 = arith.addi %mul3A_20, %mul3A_658 : i32
      %dma_wait3A_660 = arith.constant 0 : i32
      %dma_wait3A_661 = tpu.memref_slice %arg7[%add3A_659, %dma_wait3A_660] : memref<819200x128xf32, #tpu.memory_space<hbm>> -> memref<128x128xf32, #tpu.memory_space<hbm>>
      %dma_wait3A_662 = arith.constant 0 : i32
      %dma_wait3A_663 = tpu.memref_slice %arg7[%add3A_659, %dma_wait3A_662] : memref<819200x128xf32, #tpu.memory_space<hbm>> -> memref<128x128xf32, #tpu.memory_space<hbm>>
      tpu.wait_dma2 semaphore(%arg23 : memref<!tpu.dma_semaphore, #tpu.memory_space<semaphore_mem>>) src(%arg13 : memref<128x128xf32, #tpu.memory_space<vmem>>) dst(%dma_wait3A_663 : memref<128x128xf32, #tpu.memory_space<hbm>>)
      %add3A_664 = arith.constant 4 : i32
      %add3A_665 = arith.addi %add3A_656, %add3A_664 : i32
      %lt3A_666 = arith.constant 200 : i32
      %lt3A_667 = arith.cmpi slt, %add3A_665, %lt3A_666 : i32
      %convert_element_type3A_668 = arith.extui %lt3A_667 : i1 to i32
      %cond3A_669 = arith.constant 0 : i32
      %cond3A_670 = arith.cmpi ne, %convert_element_type3A_668, %cond3A_669 : i32
      scf.if %cond3A_670 {
        %add3A_689 = arith.constant 4 : i32
        %add3A_690 = arith.addi %add3A_656, %add3A_689 : i32
        %mul3A_691 = arith.constant 128 : i32
        %mul3A_692 = arith.muli %add3A_690, %mul3A_691 : i32
        %dma_start3A_693 = tpu.memref_slice %arg9[%mul3A_692] : memref<25600xi32, #tpu.memory_space<vmem>> -> memref<128xi32, #tpu.memory_space<vmem>>
        %dma_start3A_694 = arith.constant 0 : i32
        %dma_start3A_695 = arith.constant 0 : i32
        %dma_start3A_696 = tpu.memref_slice %arg5[%dma_start3A_694, %dma_start3A_695] : memref<100002x128xf32, #tpu.memory_space<hbm>> -> memref<100002x128xf32, #tpu.memory_space<hbm>>
        tpu.enqueue_indirect_dma source(%dma_start3A_696 : memref<100002x128xf32, #tpu.memory_space<hbm>>) target(%arg13 : memref<128x128xf32, #tpu.memory_space<vmem>>) offsets(%dma_start3A_693 : memref<128xi32, #tpu.memory_space<vmem>>) semaphore(%arg19 : memref<!tpu.dma_semaphore, #tpu.memory_space<semaphore_mem>>)
      } else {
      }
      %mul3A_671 = arith.constant 4 : i32
      %mul3A_672 = arith.muli %mul3A_671, %scan3A_75 : i32
      %add3A_673 = arith.constant 3 : i32
      %add3A_674 = arith.addi %mul3A_672, %add3A_673 : i32
      %mul3A_675 = arith.constant 128 : i32
      %mul3A_676 = arith.muli %add3A_674, %mul3A_675 : i32
      %add3A_677 = arith.addi %mul3A_20, %mul3A_676 : i32
      %dma_wait3A_678 = arith.constant 0 : i32
      %dma_wait3A_679 = tpu.memref_slice %arg7[%add3A_677, %dma_wait3A_678] : memref<819200x128xf32, #tpu.memory_space<hbm>> -> memref<128x128xf32, #tpu.memory_space<hbm>>
      %dma_wait3A_680 = arith.constant 0 : i32
      %dma_wait3A_681 = tpu.memref_slice %arg7[%add3A_677, %dma_wait3A_680] : memref<819200x128xf32, #tpu.memory_space<hbm>> -> memref<128x128xf32, #tpu.memory_space<hbm>>
      tpu.wait_dma2 semaphore(%arg24 : memref<!tpu.dma_semaphore, #tpu.memory_space<semaphore_mem>>) src(%arg14 : memref<128x128xf32, #tpu.memory_space<vmem>>) dst(%dma_wait3A_681 : memref<128x128xf32, #tpu.memory_space<hbm>>)
      %add3A_682 = arith.constant 4 : i32
      %add3A_683 = arith.addi %add3A_674, %add3A_682 : i32
      %lt3A_684 = arith.constant 200 : i32
      %lt3A_685 = arith.cmpi slt, %add3A_683, %lt3A_684 : i32
      %convert_element_type3A_686 = arith.extui %lt3A_685 : i1 to i32
      %cond3A_687 = arith.constant 0 : i32
      %cond3A_688 = arith.cmpi ne, %convert_element_type3A_686, %cond3A_687 : i32
      scf.if %cond3A_688 {
        %add3A_689 = arith.constant 4 : i32
        %add3A_690 = arith.addi %add3A_674, %add3A_689 : i32
        %mul3A_691 = arith.constant 128 : i32
        %mul3A_692 = arith.muli %add3A_690, %mul3A_691 : i32
        %dma_start3A_693 = tpu.memref_slice %arg9[%mul3A_692] : memref<25600xi32, #tpu.memory_space<vmem>> -> memref<128xi32, #tpu.memory_space<vmem>>
        %dma_start3A_694 = arith.constant 0 : i32
        %dma_start3A_695 = arith.constant 0 : i32
        %dma_start3A_696 = tpu.memref_slice %arg5[%dma_start3A_694, %dma_start3A_695] : memref<100002x128xf32, #tpu.memory_space<hbm>> -> memref<100002x128xf32, #tpu.memory_space<hbm>>
        tpu.enqueue_indirect_dma source(%dma_start3A_696 : memref<100002x128xf32, #tpu.memory_space<hbm>>) target(%arg14 : memref<128x128xf32, #tpu.memory_space<vmem>>) offsets(%dma_start3A_693 : memref<128xi32, #tpu.memory_space<vmem>>) semaphore(%arg20 : memref<!tpu.dma_semaphore, #tpu.memory_space<semaphore_mem>>)
      } else {
      }
    }
    %scan3A_46 = arith.constant 50 : i32
    %mul3A_47 = arith.constant 200 : i32
    %mul3A_48 = arith.muli %mul3A_2, %mul3A_47 : i32
    %dma_start3A_49 = arith.constant 0 : i32
    %dma_start3A_50 = tpu.memref_slice %arg10[%dma_start3A_49] : memref<25600xi32, #tpu.memory_space<vmem>> -> memref<128xi32, #tpu.memory_space<vmem>>
    %dma_start3A_51 = arith.constant 0 : i32
    %dma_start3A_52 = arith.constant 0 : i32
    %dma_start3A_53 = tpu.memref_slice %arg5[%dma_start3A_51, %dma_start3A_52] : memref<100002x128xf32, #tpu.memory_space<hbm>> -> memref<100002x128xf32, #tpu.memory_space<hbm>>
    tpu.enqueue_indirect_dma source(%dma_start3A_53 : memref<100002x128xf32, #tpu.memory_space<hbm>>) target(%arg11 : memref<128x128xf32, #tpu.memory_space<vmem>>) offsets(%dma_start3A_50 : memref<128xi32, #tpu.memory_space<vmem>>) semaphore(%arg17 : memref<!tpu.dma_semaphore, #tpu.memory_space<semaphore_mem>>)
    %dma_start3A_54 = arith.constant 128 : i32
    %dma_start3A_55 = tpu.memref_slice %arg10[%dma_start3A_54] : memref<25600xi32, #tpu.memory_space<vmem>> -> memref<128xi32, #tpu.memory_space<vmem>>
    %dma_start3A_56 = arith.constant 0 : i32
    %dma_start3A_57 = arith.constant 0 : i32
    %dma_start3A_58 = tpu.memref_slice %arg5[%dma_start3A_56, %dma_start3A_57] : memref<100002x128xf32, #tpu.memory_space<hbm>> -> memref<100002x128xf32, #tpu.memory_space<hbm>>
    tpu.enqueue_indirect_dma source(%dma_start3A_58 : memref<100002x128xf32, #tpu.memory_space<hbm>>) target(%arg12 : memref<128x128xf32, #tpu.memory_space<vmem>>) offsets(%dma_start3A_55 : memref<128xi32, #tpu.memory_space<vmem>>) semaphore(%arg18 : memref<!tpu.dma_semaphore, #tpu.memory_space<semaphore_mem>>)
    %dma_start3A_59 = arith.constant 256 : i32
    %dma_start3A_60 = tpu.memref_slice %arg10[%dma_start3A_59] : memref<25600xi32, #tpu.memory_space<vmem>> -> memref<128xi32, #tpu.memory_space<vmem>>
    %dma_start3A_61 = arith.constant 0 : i32
    %dma_start3A_62 = arith.constant 0 : i32
    %dma_start3A_63 = tpu.memref_slice %arg5[%dma_start3A_61, %dma_start3A_62] : memref<100002x128xf32, #tpu.memory_space<hbm>> -> memref<100002x128xf32, #tpu.memory_space<hbm>>
    tpu.enqueue_indirect_dma source(%dma_start3A_63 : memref<100002x128xf32, #tpu.memory_space<hbm>>) target(%arg13 : memref<128x128xf32, #tpu.memory_space<vmem>>) offsets(%dma_start3A_60 : memref<128xi32, #tpu.memory_space<vmem>>) semaphore(%arg19 : memref<!tpu.dma_semaphore, #tpu.memory_space<semaphore_mem>>)
    %dma_start3A_64 = arith.constant 384 : i32
    %dma_start3A_65 = tpu.memref_slice %arg10[%dma_start3A_64] : memref<25600xi32, #tpu.memory_space<vmem>> -> memref<128xi32, #tpu.memory_space<vmem>>
    %dma_start3A_66 = arith.constant 0 : i32
    %dma_start3A_67 = arith.constant 0 : i32
    %dma_start3A_68 = tpu.memref_slice %arg5[%dma_start3A_66, %dma_start3A_67] : memref<100002x128xf32, #tpu.memory_space<hbm>> -> memref<100002x128xf32, #tpu.memory_space<hbm>>
    tpu.enqueue_indirect_dma source(%dma_start3A_68 : memref<100002x128xf32, #tpu.memory_space<hbm>>) target(%arg14 : memref<128x128xf32, #tpu.memory_space<vmem>>) offsets(%dma_start3A_65 : memref<128xi32, #tpu.memory_space<vmem>>) semaphore(%arg20 : memref<!tpu.dma_semaphore, #tpu.memory_space<semaphore_mem>>)
    %scan3A_69 = arith.constant 0 : i32
    %scan3A_70 = arith.constant 0 : i32
    %scan3A_71 = arith.constant 50 : i32
    %scan3A_72 = arith.addi %scan3A_70, %scan3A_71 : i32
    %scan3A_73 = arith.constant 1 : i32
    scf.for %scan3A_75 = %scan3A_70 to %scan3A_72 step %scan3A_73  : i32 {
      %mul3A_76 = arith.constant 4 : i32
      %mul3A_77 = arith.muli %mul3A_76, %scan3A_75 : i32
      %add3A_78 = arith.constant 0 : i32
      %add3A_79 = arith.addi %mul3A_77, %add3A_78 : i32
      %dma_wait3A_80 = arith.constant 0 : i32
      %dma_wait3A_81 = arith.constant 0 : i32
      %dma_wait3A_82 = tpu.memref_slice %arg5[%dma_wait3A_80, %dma_wait3A_81] : memref<100002x128xf32, #tpu.memory_space<hbm>> -> memref<128x128xf32, #tpu.memory_space<hbm>>
      %dma_wait3A_83 = arith.constant 0 : i32
      %dma_wait3A_84 = arith.constant 0 : i32
      %dma_wait3A_85 = tpu.memref_slice %arg5[%dma_wait3A_83, %dma_wait3A_84] : memref<100002x128xf32, #tpu.memory_space<hbm>> -> memref<128x128xf32, #tpu.memory_space<hbm>>
      tpu.wait_dma2 semaphore(%arg17 : memref<!tpu.dma_semaphore, #tpu.memory_space<semaphore_mem>>) src(%dma_wait3A_85 : memref<128x128xf32, #tpu.memory_space<hbm>>) dst(%arg11 : memref<128x128xf32, #tpu.memory_space<vmem>>)
      %mul3A_86 = arith.constant 128 : i32
      %mul3A_87 = arith.muli %add3A_79, %mul3A_86 : i32
      %add3A_88 = arith.addi %mul3A_48, %mul3A_87 : i32
      %dma_start3A_89 = arith.constant 0 : i32
      %dma_start3A_90 = tpu.memref_slice %arg8[%add3A_88, %dma_start3A_89] : memref<819200x128xf32, #tpu.memory_space<hbm>> -> memref<128x128xf32, #tpu.memory_space<hbm>>
      %dma_start3A_91 = arith.constant 0 : i32
      %dma_start3A_92 = tpu.memref_slice %arg8[%add3A_88, %dma_start3A_91] : memref<819200x128xf32, #tpu.memory_space<hbm>> -> memref<128x128xf32, #tpu.memory_space<hbm>>
      tpu.enqueue_dma source(%arg11 : memref<128x128xf32, #tpu.memory_space<vmem>>) target(%dma_start3A_92 : memref<128x128xf32, #tpu.memory_space<hbm>>) target_semaphore(%arg21 : memref<!tpu.dma_semaphore, #tpu.memory_space<semaphore_mem>>)
      %mul3A_93 = arith.constant 4 : i32
      %mul3A_94 = arith.muli %mul3A_93, %scan3A_75 : i32
      %add3A_95 = arith.constant 1 : i32
      %add3A_96 = arith.addi %mul3A_94, %add3A_95 : i32
      %dma_wait3A_97 = arith.constant 0 : i32
      %dma_wait3A_98 = arith.constant 0 : i32
      %dma_wait3A_99 = tpu.memref_slice %arg5[%dma_wait3A_97, %dma_wait3A_98] : memref<100002x128xf32, #tpu.memory_space<hbm>> -> memref<128x128xf32, #tpu.memory_space<hbm>>
      %dma_wait3A_100 = arith.constant 0 : i32
      %dma_wait3A_101 = arith.constant 0 : i32
      %dma_wait3A_102 = tpu.memref_slice %arg5[%dma_wait3A_100, %dma_wait3A_101] : memref<100002x128xf32, #tpu.memory_space<hbm>> -> memref<128x128xf32, #tpu.memory_space<hbm>>
      tpu.wait_dma2 semaphore(%arg18 : memref<!tpu.dma_semaphore, #tpu.memory_space<semaphore_mem>>) src(%dma_wait3A_102 : memref<128x128xf32, #tpu.memory_space<hbm>>) dst(%arg12 : memref<128x128xf32, #tpu.memory_space<vmem>>)
      %mul3A_103 = arith.constant 128 : i32
      %mul3A_104 = arith.muli %add3A_96, %mul3A_103 : i32
      %add3A_105 = arith.addi %mul3A_48, %mul3A_104 : i32
      %dma_start3A_106 = arith.constant 0 : i32
      %dma_start3A_107 = tpu.memref_slice %arg8[%add3A_105, %dma_start3A_106] : memref<819200x128xf32, #tpu.memory_space<hbm>> -> memref<128x128xf32, #tpu.memory_space<hbm>>
      %dma_start3A_108 = arith.constant 0 : i32
      %dma_start3A_109 = tpu.memref_slice %arg8[%add3A_105, %dma_start3A_108] : memref<819200x128xf32, #tpu.memory_space<hbm>> -> memref<128x128xf32, #tpu.memory_space<hbm>>
      tpu.enqueue_dma source(%arg12 : memref<128x128xf32, #tpu.memory_space<vmem>>) target(%dma_start3A_109 : memref<128x128xf32, #tpu.memory_space<hbm>>) target_semaphore(%arg22 : memref<!tpu.dma_semaphore, #tpu.memory_space<semaphore_mem>>)
      %mul3A_110 = arith.constant 4 : i32
      %mul3A_111 = arith.muli %mul3A_110, %scan3A_75 : i32
      %add3A_112 = arith.constant 2 : i32
      %add3A_113 = arith.addi %mul3A_111, %add3A_112 : i32
      %dma_wait3A_114 = arith.constant 0 : i32
      %dma_wait3A_115 = arith.constant 0 : i32
      %dma_wait3A_116 = tpu.memref_slice %arg5[%dma_wait3A_114, %dma_wait3A_115] : memref<100002x128xf32, #tpu.memory_space<hbm>> -> memref<128x128xf32, #tpu.memory_space<hbm>>
      %dma_wait3A_117 = arith.constant 0 : i32
      %dma_wait3A_118 = arith.constant 0 : i32
      %dma_wait3A_119 = tpu.memref_slice %arg5[%dma_wait3A_117, %dma_wait3A_118] : memref<100002x128xf32, #tpu.memory_space<hbm>> -> memref<128x128xf32, #tpu.memory_space<hbm>>
      tpu.wait_dma2 semaphore(%arg19 : memref<!tpu.dma_semaphore, #tpu.memory_space<semaphore_mem>>) src(%dma_wait3A_119 : memref<128x128xf32, #tpu.memory_space<hbm>>) dst(%arg13 : memref<128x128xf32, #tpu.memory_space<vmem>>)
      %mul3A_120 = arith.constant 128 : i32
      %mul3A_121 = arith.muli %add3A_113, %mul3A_120 : i32
      %add3A_122 = arith.addi %mul3A_48, %mul3A_121 : i32
      %dma_start3A_123 = arith.constant 0 : i32
      %dma_start3A_124 = tpu.memref_slice %arg8[%add3A_122, %dma_start3A_123] : memref<819200x128xf32, #tpu.memory_space<hbm>> -> memref<128x128xf32, #tpu.memory_space<hbm>>
      %dma_start3A_125 = arith.constant 0 : i32
      %dma_start3A_126 = tpu.memref_slice %arg8[%add3A_122, %dma_start3A_125] : memref<819200x128xf32, #tpu.memory_space<hbm>> -> memref<128x128xf32, #tpu.memory_space<hbm>>
      tpu.enqueue_dma source(%arg13 : memref<128x128xf32, #tpu.memory_space<vmem>>) target(%dma_start3A_126 : memref<128x128xf32, #tpu.memory_space<hbm>>) target_semaphore(%arg23 : memref<!tpu.dma_semaphore, #tpu.memory_space<semaphore_mem>>)
      %mul3A_127 = arith.constant 4 : i32
      %mul3A_128 = arith.muli %mul3A_127, %scan3A_75 : i32
      %add3A_129 = arith.constant 3 : i32
      %add3A_130 = arith.addi %mul3A_128, %add3A_129 : i32
      %dma_wait3A_131 = arith.constant 0 : i32
      %dma_wait3A_132 = arith.constant 0 : i32
      %dma_wait3A_133 = tpu.memref_slice %arg5[%dma_wait3A_131, %dma_wait3A_132] : memref<100002x128xf32, #tpu.memory_space<hbm>> -> memref<128x128xf32, #tpu.memory_space<hbm>>
      %dma_wait3A_134 = arith.constant 0 : i32
      %dma_wait3A_135 = arith.constant 0 : i32
      %dma_wait3A_136 = tpu.memref_slice %arg5[%dma_wait3A_134, %dma_wait3A_135] : memref<100002x128xf32, #tpu.memory_space<hbm>> -> memref<128x128xf32, #tpu.memory_space<hbm>>
      tpu.wait_dma2 semaphore(%arg20 : memref<!tpu.dma_semaphore, #tpu.memory_space<semaphore_mem>>) src(%dma_wait3A_136 : memref<128x128xf32, #tpu.memory_space<hbm>>) dst(%arg14 : memref<128x128xf32, #tpu.memory_space<vmem>>)
      %mul3A_137 = arith.constant 128 : i32
      %mul3A_138 = arith.muli %add3A_130, %mul3A_137 : i32
      %add3A_139 = arith.addi %mul3A_48, %mul3A_138 : i32
      %dma_start3A_140 = arith.constant 0 : i32
      %dma_start3A_141 = tpu.memref_slice %arg8[%add3A_139, %dma_start3A_140] : memref<819200x128xf32, #tpu.memory_space<hbm>> -> memref<128x128xf32, #tpu.memory_space<hbm>>
      %dma_start3A_142 = arith.constant 0 : i32
      %dma_start3A_143 = tpu.memref_slice %arg8[%add3A_139, %dma_start3A_142] : memref<819200x128xf32, #tpu.memory_space<hbm>> -> memref<128x128xf32, #tpu.memory_space<hbm>>
      tpu.enqueue_dma source(%arg14 : memref<128x128xf32, #tpu.memory_space<vmem>>) target(%dma_start3A_143 : memref<128x128xf32, #tpu.memory_space<hbm>>) target_semaphore(%arg24 : memref<!tpu.dma_semaphore, #tpu.memory_space<semaphore_mem>>)
      %mul3A_144 = arith.constant 4 : i32
      %mul3A_145 = arith.muli %mul3A_144, %scan3A_75 : i32
      %add3A_146 = arith.constant 0 : i32
      %add3A_147 = arith.addi %mul3A_145, %add3A_146 : i32
      %mul3A_148 = arith.constant 128 : i32
      %mul3A_149 = arith.muli %add3A_147, %mul3A_148 : i32
      %add3A_150 = arith.addi %mul3A_48, %mul3A_149 : i32
      %dma_wait3A_151 = arith.constant 0 : i32
      %dma_wait3A_152 = tpu.memref_slice %arg8[%add3A_150, %dma_wait3A_151] : memref<819200x128xf32, #tpu.memory_space<hbm>> -> memref<128x128xf32, #tpu.memory_space<hbm>>
      %dma_wait3A_153 = arith.constant 0 : i32
      %dma_wait3A_154 = tpu.memref_slice %arg8[%add3A_150, %dma_wait3A_153] : memref<819200x128xf32, #tpu.memory_space<hbm>> -> memref<128x128xf32, #tpu.memory_space<hbm>>
      tpu.wait_dma2 semaphore(%arg21 : memref<!tpu.dma_semaphore, #tpu.memory_space<semaphore_mem>>) src(%arg11 : memref<128x128xf32, #tpu.memory_space<vmem>>) dst(%dma_wait3A_154 : memref<128x128xf32, #tpu.memory_space<hbm>>)
      %add3A_155 = arith.constant 4 : i32
      %add3A_156 = arith.addi %add3A_147, %add3A_155 : i32
      %lt3A = arith.constant 200 : i32
      %lt3A_157 = arith.cmpi slt, %add3A_156, %lt3A : i32
      %convert_element_type3A = arith.extui %lt3A_157 : i1 to i32
      %cond3A = arith.constant 0 : i32
      %cond3A_158 = arith.cmpi ne, %convert_element_type3A, %cond3A : i32
      scf.if %cond3A_158 {
        %add3A_213 = arith.constant 4 : i32
        %add3A_214 = arith.addi %add3A_147, %add3A_213 : i32
        %mul3A_215 = arith.constant 128 : i32
        %mul3A_216 = arith.muli %add3A_214, %mul3A_215 : i32
        %dma_start3A_217 = tpu.memref_slice %arg10[%mul3A_216] : memref<25600xi32, #tpu.memory_space<vmem>> -> memref<128xi32, #tpu.memory_space<vmem>>
        %dma_start3A_218 = arith.constant 0 : i32
        %dma_start3A_219 = arith.constant 0 : i32
        %dma_start3A_220 = tpu.memref_slice %arg5[%dma_start3A_218, %dma_start3A_219] : memref<100002x128xf32, #tpu.memory_space<hbm>> -> memref<100002x128xf32, #tpu.memory_space<hbm>>
        tpu.enqueue_indirect_dma source(%dma_start3A_220 : memref<100002x128xf32, #tpu.memory_space<hbm>>) target(%arg11 : memref<128x128xf32, #tpu.memory_space<vmem>>) offsets(%dma_start3A_217 : memref<128xi32, #tpu.memory_space<vmem>>) semaphore(%arg17 : memref<!tpu.dma_semaphore, #tpu.memory_space<semaphore_mem>>)
      } else {
      }
      %mul3A_159 = arith.constant 4 : i32
      %mul3A_160 = arith.muli %mul3A_159, %scan3A_75 : i32
      %add3A_161 = arith.constant 1 : i32
      %add3A_162 = arith.addi %mul3A_160, %add3A_161 : i32
      %mul3A_163 = arith.constant 128 : i32
      %mul3A_164 = arith.muli %add3A_162, %mul3A_163 : i32
      %add3A_165 = arith.addi %mul3A_48, %mul3A_164 : i32
      %dma_wait3A_166 = arith.constant 0 : i32
      %dma_wait3A_167 = tpu.memref_slice %arg8[%add3A_165, %dma_wait3A_166] : memref<819200x128xf32, #tpu.memory_space<hbm>> -> memref<128x128xf32, #tpu.memory_space<hbm>>
      %dma_wait3A_168 = arith.constant 0 : i32
      %dma_wait3A_169 = tpu.memref_slice %arg8[%add3A_165, %dma_wait3A_168] : memref<819200x128xf32, #tpu.memory_space<hbm>> -> memref<128x128xf32, #tpu.memory_space<hbm>>
      tpu.wait_dma2 semaphore(%arg22 : memref<!tpu.dma_semaphore, #tpu.memory_space<semaphore_mem>>) src(%arg12 : memref<128x128xf32, #tpu.memory_space<vmem>>) dst(%dma_wait3A_169 : memref<128x128xf32, #tpu.memory_space<hbm>>)
      %add3A_170 = arith.constant 4 : i32
      %add3A_171 = arith.addi %add3A_162, %add3A_170 : i32
      %lt3A_172 = arith.constant 200 : i32
      %lt3A_173 = arith.cmpi slt, %add3A_171, %lt3A_172 : i32
      %convert_element_type3A_174 = arith.extui %lt3A_173 : i1 to i32
      %cond3A_175 = arith.constant 0 : i32
      %cond3A_176 = arith.cmpi ne, %convert_element_type3A_174, %cond3A_175 : i32
      scf.if %cond3A_176 {
        %add3A_213 = arith.constant 4 : i32
        %add3A_214 = arith.addi %add3A_162, %add3A_213 : i32
        %mul3A_215 = arith.constant 128 : i32
        %mul3A_216 = arith.muli %add3A_214, %mul3A_215 : i32
        %dma_start3A_217 = tpu.memref_slice %arg10[%mul3A_216] : memref<25600xi32, #tpu.memory_space<vmem>> -> memref<128xi32, #tpu.memory_space<vmem>>
        %dma_start3A_218 = arith.constant 0 : i32
        %dma_start3A_219 = arith.constant 0 : i32
        %dma_start3A_220 = tpu.memref_slice %arg5[%dma_start3A_218, %dma_start3A_219] : memref<100002x128xf32, #tpu.memory_space<hbm>> -> memref<100002x128xf32, #tpu.memory_space<hbm>>
        tpu.enqueue_indirect_dma source(%dma_start3A_220 : memref<100002x128xf32, #tpu.memory_space<hbm>>) target(%arg12 : memref<128x128xf32, #tpu.memory_space<vmem>>) offsets(%dma_start3A_217 : memref<128xi32, #tpu.memory_space<vmem>>) semaphore(%arg18 : memref<!tpu.dma_semaphore, #tpu.memory_space<semaphore_mem>>)
      } else {
      }
      %mul3A_177 = arith.constant 4 : i32
      %mul3A_178 = arith.muli %mul3A_177, %scan3A_75 : i32
      %add3A_179 = arith.constant 2 : i32
      %add3A_180 = arith.addi %mul3A_178, %add3A_179 : i32
      %mul3A_181 = arith.constant 128 : i32
      %mul3A_182 = arith.muli %add3A_180, %mul3A_181 : i32
      %add3A_183 = arith.addi %mul3A_48, %mul3A_182 : i32
      %dma_wait3A_184 = arith.constant 0 : i32
      %dma_wait3A_185 = tpu.memref_slice %arg8[%add3A_183, %dma_wait3A_184] : memref<819200x128xf32, #tpu.memory_space<hbm>> -> memref<128x128xf32, #tpu.memory_space<hbm>>
      %dma_wait3A_186 = arith.constant 0 : i32
      %dma_wait3A_187 = tpu.memref_slice %arg8[%add3A_183, %dma_wait3A_186] : memref<819200x128xf32, #tpu.memory_space<hbm>> -> memref<128x128xf32, #tpu.memory_space<hbm>>
      tpu.wait_dma2 semaphore(%arg23 : memref<!tpu.dma_semaphore, #tpu.memory_space<semaphore_mem>>) src(%arg13 : memref<128x128xf32, #tpu.memory_space<vmem>>) dst(%dma_wait3A_187 : memref<128x128xf32, #tpu.memory_space<hbm>>)
      %add3A_188 = arith.constant 4 : i32
      %add3A_189 = arith.addi %add3A_180, %add3A_188 : i32
      %lt3A_190 = arith.constant 200 : i32
      %lt3A_191 = arith.cmpi slt, %add3A_189, %lt3A_190 : i32
      %convert_element_type3A_192 = arith.extui %lt3A_191 : i1 to i32
      %cond3A_193 = arith.constant 0 : i32
      %cond3A_194 = arith.cmpi ne, %convert_element_type3A_192, %cond3A_193 : i32
      scf.if %cond3A_194 {
        %add3A_213 = arith.constant 4 : i32
        %add3A_214 = arith.addi %add3A_180, %add3A_213 : i32
        %mul3A_215 = arith.constant 128 : i32
        %mul3A_216 = arith.muli %add3A_214, %mul3A_215 : i32
        %dma_start3A_217 = tpu.memref_slice %arg10[%mul3A_216] : memref<25600xi32, #tpu.memory_space<vmem>> -> memref<128xi32, #tpu.memory_space<vmem>>
        %dma_start3A_218 = arith.constant 0 : i32
        %dma_start3A_219 = arith.constant 0 : i32
        %dma_start3A_220 = tpu.memref_slice %arg5[%dma_start3A_218, %dma_start3A_219] : memref<100002x128xf32, #tpu.memory_space<hbm>> -> memref<100002x128xf32, #tpu.memory_space<hbm>>
        tpu.enqueue_indirect_dma source(%dma_start3A_220 : memref<100002x128xf32, #tpu.memory_space<hbm>>) target(%arg13 : memref<128x128xf32, #tpu.memory_space<vmem>>) offsets(%dma_start3A_217 : memref<128xi32, #tpu.memory_space<vmem>>) semaphore(%arg19 : memref<!tpu.dma_semaphore, #tpu.memory_space<semaphore_mem>>)
      } else {
      }
      %mul3A_195 = arith.constant 4 : i32
      %mul3A_196 = arith.muli %mul3A_195, %scan3A_75 : i32
      %add3A_197 = arith.constant 3 : i32
      %add3A_198 = arith.addi %mul3A_196, %add3A_197 : i32
      %mul3A_199 = arith.constant 128 : i32
      %mul3A_200 = arith.muli %add3A_198, %mul3A_199 : i32
      %add3A_201 = arith.addi %mul3A_48, %mul3A_200 : i32
      %dma_wait3A_202 = arith.constant 0 : i32
      %dma_wait3A_203 = tpu.memref_slice %arg8[%add3A_201, %dma_wait3A_202] : memref<819200x128xf32, #tpu.memory_space<hbm>> -> memref<128x128xf32, #tpu.memory_space<hbm>>
      %dma_wait3A_204 = arith.constant 0 : i32
      %dma_wait3A_205 = tpu.memref_slice %arg8[%add3A_201, %dma_wait3A_204] : memref<819200x128xf32, #tpu.memory_space<hbm>> -> memref<128x128xf32, #tpu.memory_space<hbm>>
      tpu.wait_dma2 semaphore(%arg24 : memref<!tpu.dma_semaphore, #tpu.memory_space<semaphore_mem>>) src(%arg14 : memref<128x128xf32, #tpu.memory_space<vmem>>) dst(%dma_wait3A_205 : memref<128x128xf32, #tpu.memory_space<hbm>>)
      %add3A_206 = arith.constant 4 : i32
      %add3A_207 = arith.addi %add3A_198, %add3A_206 : i32
      %lt3A_208 = arith.constant 200 : i32
      %lt3A_209 = arith.cmpi slt, %add3A_207, %lt3A_208 : i32
      %convert_element_type3A_210 = arith.extui %lt3A_209 : i1 to i32
      %cond3A_211 = arith.constant 0 : i32
      %cond3A_212 = arith.cmpi ne, %convert_element_type3A_210, %cond3A_211 : i32
      scf.if %cond3A_212 {
        %add3A_213 = arith.constant 4 : i32
        %add3A_214 = arith.addi %add3A_198, %add3A_213 : i32
        %mul3A_215 = arith.constant 128 : i32
        %mul3A_216 = arith.muli %add3A_214, %mul3A_215 : i32
        %dma_start3A_217 = tpu.memref_slice %arg10[%mul3A_216] : memref<25600xi32, #tpu.memory_space<vmem>> -> memref<128xi32, #tpu.memory_space<vmem>>
        %dma_start3A_218 = arith.constant 0 : i32
        %dma_start3A_219 = arith.constant 0 : i32
        %dma_start3A_220 = tpu.memref_slice %arg5[%dma_start3A_218, %dma_start3A_219] : memref<100002x128xf32, #tpu.memory_space<hbm>> -> memref<100002x128xf32, #tpu.memory_space<hbm>>
        tpu.enqueue_indirect_dma source(%dma_start3A_220 : memref<100002x128xf32, #tpu.memory_space<hbm>>) target(%arg14 : memref<128x128xf32, #tpu.memory_space<vmem>>) offsets(%dma_start3A_217 : memref<128xi32, #tpu.memory_space<vmem>>) semaphore(%arg20 : memref<!tpu.dma_semaphore, #tpu.memory_space<semaphore_mem>>)
      } else {
      }
    }
    %scan3A_74 = arith.constant 50 : i32
    return
  }
}

module attributes {stable_mosaic.version = 14 : i64} {
  func.func @_tc_len_body(%arg0: i32, %arg1: memref<512x200xi32, #tpu.memory_space<vmem>>, %arg2: memref<512xi32, #tpu.memory_space<vmem>>) attributes {dimension_semantics = [#tpu.dimension_semantics<arbitrary>], iteration_bounds = array<i64: 8>, scalar_prefetch = 0 : i64, scratch_operands = 0 : i64, tpu.core_type = #tpu.core_type<tc>, window_params = [{transform_indices = @transform_0, window_bounds = array<i64: 512, 200>}, {transform_indices = @transform_1, window_bounds = array<i64: 512>}]} {
    %get3A = arith.constant 0 : index
    %get3A_0 = arith.constant 0 : index
    %get3A_1 = vector.load %arg1[%get3A, %get3A_0] : memref<512x200xi32, #tpu.memory_space<vmem>>, vector<512x200xi32>
    %gt3A = arith.constant 0 : i32
    %gt3A_2 = vector.broadcast %gt3A : i32 to vector<512x200xi32>
    %gt3A_3 = arith.cmpi sgt, %get3A_1, %gt3A_2 : vector<512x200xi32>
    %jit3A = arith.constant 1 : i32
    %jit3A_4 = arith.constant 0 : i32
    %broadcast_in_dim3A = vector.broadcast %jit3A : i32 to vector<512x200xi32>
    %broadcast_in_dim3A_5 = vector.broadcast %jit3A_4 : i32 to vector<512x200xi32>
    %select_n3A = arith.select %gt3A_3, %broadcast_in_dim3A, %broadcast_in_dim3A_5 : vector<512x200xi1>, vector<512x200xi32>
    %reduce_sum3A = arith.constant dense<0> : vector<512xi32>
    %reduce_sum3A_6 = vector.multi_reduction <add>, %select_n3A, %reduce_sum3A [1] : vector<512x200xi32> to vector<512xi32>
    %swap3A = arith.constant 0 : index
    %swap3A_7 = vector.load %arg2[%swap3A] : memref<512xi32, #tpu.memory_space<vmem>>, vector<512xi32>
    tpu.vector_store %arg2[%swap3A], %reduce_sum3A_6 {strides = array<i32>} : memref<512xi32, #tpu.memory_space<vmem>>, vector<512xi32>,
    return
  }
  func.func @transform_0(%arg0: i32) -> (i32, i32) {
    %c0_i32 = arith.constant 0 : i32
    %c0_i32_0 = arith.constant 0 : i32
    return %arg0, %c0_i32 : i32, i32
  }
  func.func @transform_1(%arg0: i32) -> i32 {
    %c0_i32 = arith.constant 0 : i32
    return %arg0 : i32
  }
}

</mosaic_0001>

<sc_bundles>
// kernel: _impl.4.cloned.1.call-start
scs
__scs_entry_jumppad:
0x0: {  	(pc) =	sbr.rel $0x88, $3  }
0x1: {  	(tag) =	ssettag $0x0;
	lr =	simm.s32 $0x1  }
0x2: {  	[smem:$0x3F9E] =	sst lr;
	_ =	strace $0xD0000000  }
0x3: {  	_ = 	snop  }
0x4: {  	_ = 	snop  }
0x5: {  	_ = 	snop  }
0x6: {  	_ = 	snop  }
0x7: {  	_ = 	snop  }
__scs_overlays_trampoline_lowered:
0x8: {  	[smem:$0x3FAD] =	sst s0  }
0x9: {  	[smem:$0x3FAE] =	sst s1  }
0xa: {  	[smem:$0x3FAF] =	sst s2  }
0xb: {  	[smem:$0x3FB0] =	sst s3  }
0xc: {  	[smem:$0x3FB1] =	sst s4  }
0xd: {  	[smem:$0x3FB2] =	sst s5  }
0xe: {  	[smem:$0x3FB3] =	sst s6  }
0xf: {  	[smem:$0x3FB4] =	sst s7  }
0x10: {  	[smem:$0x3FB5] =	sst s8  }
0x11: {  	[smem:$0x3FB6] =	sst s9;
	s0 =	simm.s32 @!p0 $0x0  }
0x12: {  	s1 =	sld [smem:$0x3F9C];
	s0 =	simm.s32 @p0 $0x1  }
0x13: {  	[smem:$0x3FB7] =	sst s0;
	s0 =	simm.s32 @!p1 $0x0  }
0x14: {  	s2 =	sld [smem:$0x3F9B];
	s0 =	simm.s32 @p1 $0x1  }
0x15: {  	[smem:$0x3FB8] =	sst s0;
	s0 =	simm.s32 @!p2 $0x0  }
0x16: {  	s3 =	sld [smem:$0x3FDB];
	s0 =	simm.s32 @p2 $0x1  }
0x17: {  	s4 =	simm.s32 $0x1BF5;
	[smem:$0x3FBA] =	sst s0  }
0x18: {  	s0 =	sld [smem:$0x3F9D];
	_ =	swait.ge [sflag:s4], $0x0  }
0x19: {  	s7 =	sld [smem:$0x3F9E]  }
0x1a: {  	s8 =	sadd.s32 $0xFFFFE003, lr  }
0x1b: {  	s9 =	sadd.s32 $0xFFFFFEF7, lr;
	s5 =	simm.s32 $0xFFFFFFFF;
	p2 =	slt.u32 s8, $0xFFFFF086  }
0x1c: {  	p1 =	slt.u32 s9, $0xF7A;
	s5 =	simm.s32 @!p2 $0x0  }
0x1d: {  	s5 =	simm.s32 @p1 $0x1;
	p0 =	seq.s32 s7, s2  }
0x1e: {  	s7 =	smul.u32 @!p0 $0xF7A, s2;
	p2 =	seq.s32 @!p0 s5, $0x0  }
0x1f: {  	s9 =	smul.u32 $0xF7A, s1;
	s8 =	simm.s32 @!p0 $0x1BF5;
	p2 =	por !p2, p0  }
0x20: {  	[sflag:s8] =	ssyncset.s32 @!p0 $0xFFFFF086;
	s6 =	sadd.s32 @!p0 s3, s7;
	s7 =	simm.s32 @!p0 $0x108  }
0x21: {  	s3 =	sadd.s32 s3, s9;
	s6 =	sadd.s32 @!p0 $0x88, s6;
	s7 =	simm.s32 @p2 $0x1082  }
0x22: {  	[simem:s7], [sflag:s8] =	dma.local @!p0 [hbm:s6], $0xF7A  }
0x23: {  	s9 =	sor.u32 $0xD0000000, s2;
	s6 =	simm.s32 $0x108;
	_ =	swait.ge @!p0 [sflag:s8], $0x0  }
0x24: {  	s3 =	sadd.s32 $0x88, s3;
	s6 =	simm.s32 @!p1 $0x1082;
	[sflag:s4] =	ssyncset.s32 $0xFFFFF086  }
0x25: {  	[simem:s6], [sflag:s4] =	dma.local [hbm:s3], $0xF7A  }
0x26: {  	[smem:$0x3F9E] =	sst s1;
	(tag) =	ssettag s2;
	_ =	strace s9  }
0x27: {  	s1 =	sld [smem:$0x3FAE]  }
0x28: {  	s2 =	sld [smem:$0x3FAF]  }
0x29: {  	s4 =	sld [smem:$0x3FB1]  }
0x2a: {  	p0 =	seq.s32 s5, $0x0;
	s5 =	sld [smem:$0x3FB2]  }
0x2b: {  	s6 =	sld [smem:$0x3FB3]  }
0x2c: {  	s7 =	sld [smem:$0x3FB4]  }
0x2d: {  	s3 =	simm.s32 $0x108;
	s8 =	sld [smem:$0x3FB5]  }
0x2e: {  	s3 =	simm.s32 @!p0 $0x1082;
	s9 =	sld [smem:$0x3FB6]  }
0x2f: {  	lr =	sadd.s32 s0, s3;
	s0 =	sld [smem:$0x3FAD]  }
0x30: {  	s3 =	sld [smem:$0x3FB0]  }
0x31: {  	[smem:$0x3FB9] =	sst s10  }
0x32: {  	s10 =	sld [smem:$0x3FB7];
	_ =	sdelay $0x3  }
0x33: {  	p0 =	seq.s32 s10, $0x1;
	s10 =	sld [smem:$0x3FB9];
	_ =	sdelay $0x3  }
0x34: {  	[smem:$0x3FB9] =	sst s10  }
0x35: {  	s10 =	sld [smem:$0x3FB8];
	_ =	sdelay $0x3  }
0x36: {  	p1 =	seq.s32 s10, $0x1;
	s10 =	sld [smem:$0x3FB9];
	_ =	sdelay $0x3  }
0x37: {  	[smem:$0x3FB9] =	sst s10  }
0x38: {  	s10 =	sld [smem:$0x3FBA]  }
0x39: {  	_ = 	snop;
	(pc) =	sbr.ind lr, $3  }
0x3a: {  	_ = 	snop  }
0x3b: {  	_ = 	snop  }
0x3c: {  	p2 =	seq.s32 s10, $0x1;
	s10 =	sld [smem:$0x3FB9]  }
0x3d: {  	_ =	shalt  }
0x3e: {  	_ =	shalt  }
0x3f: {  	_ =	shalt  }
0x40: {  	_ =	shalt  }
0x41: {  	_ =	shalt  }
0x42: {  	_ =	shalt  }
0x43: {  	_ =	shalt  }
0x44: {  	_ =	shalt  }
0x45: {  	_ =	shalt  }
0x46: {  	_ =	shalt  }
0x47: {  	_ =	shalt  }
0x48: {  	_ =	shalt  }
0x49: {  	_ =	shalt  }
0x4a: {  	_ =	shalt  }
0x4b: {  	_ =	shalt  }
0x4c: {  	_ =	shalt  }
0x4d: {  	_ =	shalt  }
0x4e: {  	_ =	shalt  }
0x4f: {  	_ =	shalt  }
0x50: {  	_ =	shalt  }
0x51: {  	_ =	shalt  }
0x52: {  	_ =	shalt  }
0x53: {  	_ =	shalt  }
0x54: {  	_ =	shalt  }
0x55: {  	_ =	shalt  }
0x56: {  	_ =	shalt  }
0x57: {  	_ =	shalt  }
0x58: {  	_ =	shalt  }
0x59: {  	_ =	shalt  }
0x5a: {  	_ =	shalt  }
0x5b: {  	_ =	shalt  }
0x5c: {  	_ =	shalt  }
0x5d: {  	_ =	shalt  }
0x5e: {  	_ =	shalt  }
0x5f: {  	_ =	shalt  }
0x60: {  	_ =	shalt  }
0x61: {  	_ =	shalt  }
0x62: {  	_ =	shalt  }
0x63: {  	_ =	shalt  }
0x64: {  	_ =	shalt  }
0x65: {  	_ =	shalt  }
0x66: {  	_ =	shalt  }
0x67: {  	_ =	shalt  }
0x68: {  	_ =	shalt  }
0x69: {  	_ =	shalt  }
0x6a: {  	_ =	shalt  }
0x6b: {  	_ =	shalt  }
0x6c: {  	_ =	shalt  }
0x6d: {  	_ =	shalt  }
0x6e: {  	_ =	shalt  }
0x6f: {  	_ =	shalt  }
0x70: {  	_ =	shalt  }
0x71: {  	_ =	shalt  }
0x72: {  	_ =	shalt  }
0x73: {  	_ =	shalt  }
0x74: {  	_ =	shalt  }
0x75: {  	_ =	shalt  }
0x76: {  	_ =	shalt  }
0x77: {  	_ =	shalt  }
0x78: {  	_ =	shalt  }
0x79: {  	_ =	shalt  }
0x7a: {  	_ =	shalt  }
0x7b: {  	_ =	shalt  }
0x7c: {  	_ =	shalt  }
0x7d: {  	_ =	shalt  }
0x7e: {  	_ =	shalt  }
0x7f: {  	_ =	shalt  }
0x80: {  	_ =	shalt  }
0x81: {  	_ =	shalt  }
0x82: {  	_ =	shalt  }
0x83: {  	_ =	shalt  }
0x84: {  	_ =	shalt  }
0x85: {  	_ =	shalt  }
0x86: {  	_ =	shalt  }
0x87: {  	_ =	shalt  }
.Lfunc_end0:
.L_simem_size_0:
called_computation_lowered:
.L_overlay_start_0:
0x88: {  	s2 =	sld [smem:$0x3FD9]  }
0x89: {  	s3 =	sld [smem:$0x3FFE];
	_ =	sdelay $0x1  }
0x8a: {  	s1 =	srdreg.scid  }
0x8b: {  	s0 =	sand.u32 $0x1, s1  }
0x8c: {  	s14 =	sshll.u32 s0, $0xA;
	s2 =	sadd.s32 s3, s2  }
0x8d: {  	s2 =	sadd.s32 s2, s14  }
0x8e: {  	[smem:$0x3FC5] =	sst s2  }
0x8f: {  	_ = 	snop  }
0x90: {  	s2 =	sld [smem:$0x3FD0];
	_ =	sdelay $0x2  }
0x91: {  	s15 =	simm.s32 $0xA;
	s4 =	simm.s32 $0x10  }
0x92: {  	[smem:s4], [sflag:s15] =	dma.local [hbm:s2], $0x1  }
0x93: {  	_ =	swait.eq [sflag:s15], $0x1  }
0x94: {  	s16 =	sld [smem:$0x10];
	[sflag:s15] =	ssyncset.done $0x0  }
0x95: {  	s17 =	sld [smem:$0x11];
	[sflag:s15] =	ssyncadd.s32 $0xFFFFFFFF  }
0x96: {  	s18 =	sld [smem:$0x13];
	(tm) =	ssettm $0x1  }
0x97: {  	s5 =	sld [smem:$0x3FFB];
	_ =	sdelay $0x3  }
0x98: {  	_ =	strace s5  }
0x99: {  	s5 =	sld [smem:$0x3FFC];
	_ =	sdelay $0x3  }
0x9a: {  	_ =	strace s5  }
0x9b: {  	s5 =	sld [smem:$0x3FFD];
	_ =	sdelay $0x3  }
0x9c: {  	_ =	strace s5  }
0x9d: {  	_ =	strace $0x8FFFFFFF  }
0x9e: {  	s19 =	sld [smem:$0x3FDB];
	_ =	sdelay $0x1  }
0x9f: {  	s6 =	simm.s32 $_scs_section_size  }
0xa0: {  	s7 =	simm.s32 $_size__tile_overlayer_lowered;
	s8 =	simm.s32 $_tile_overlayer_lowered  }
0xa1: {  	s22 =	simm.s32 $0x1BFF;
	s21 =	sshll.u32 s8, $0x1;
	s5 =	sadd.s32 s6, s19  }
0xa2: {  	s9 =	simm.s32 $0x0;
	s20 =	sshll.u32 s7, $0x1;
	s7 =	sadd.s32 s21, s5  }
0xa3: {  	[timem:s9], [sflag:s22] =	dma.local [hbm:s7], s20  }
0xa4: {  	_ =	swait.ge [sflag:s22], s20  }
0xa5: {  	s6 =	ssub.s32 $0x0, s20;
	[sflag:s22] =	ssyncset.done $0x0  }
0xa6: {  	[sflag:s22] =	ssyncadd.s32 s6;
	_ =	sdelay $0x1  }
0xa7: {  	s23 =	simm.s32 $0x1B8B  }
0xa8: {  	_ =	swait.ge [sflag:s23], $0x1  }
0xa9: {  	[sflag:s23] =	ssyncset.done $0x0  }
0xaa: {  	s25 =	simm.s32 $0x1B8E;
	s24 =	sld [smem:$0x3FFE];
	[sflag:s23] =	ssyncadd.s32 $0xFFFFFFFF  }
0xab: {  	s26 =	simm.s32 $execute0_lowered;
	[smem:$0x3FD2] =	sst s25  }
0xac: {  	s7 =	sshll.u32 s26, $0x1;
	_ =	strace $0x80000046;
	[dreg:$0x1] =	wrdreg $0xFFFFFFFF  }
0xad: {  	s28 =	simm.s32 $_size_execute0_lowered;
	s5 =	sadd.s32 s5, s7;
	[dreg:$0x0] =	wrdreg $0x0  }
0xae: {  	s7 =	sshll.u32 s28, $0x1;
	[dreg:$0x2] =	wrdreg s5  }
0xaf: {  	[dreg:$0x3] =	wrdreg s7  }
0xb0: {  	[dreg:$0x4] =	wrdreg $0xC0  }
0xb1: {  	_ =	task [dreg:s9], $0x5FFFF  }
0xb2: {  	[dreg:$0x1] =	wrdreg $0xFFFFFFFF  }
0xb3: {  	[dreg:$0x0] =	wrdreg $0x60  }
0xb4: {  	[dreg:$0x2] =	wrdreg s24  }
0xb5: {  	[dreg:$0x3] =	wrdreg s16  }
0xb6: {  	[dreg:$0x4] =	wrdreg s17  }
0xb7: {  	[dreg:$0x5] =	wrdreg s18  }
0xb8: {  	[dreg:$0x6] =	wrdreg $0x9  }
0xb9: {  	_ =	task.clear_ibuf [dreg:s9], $0x7FFFF;
	_ =	strace $0x90000046  }
0xba: {  	s29 =	simm.s32 $0x9;
	_ =	strace $0x80000048  }
0xbb: {  	_ =	swait.ge [sflag:s29], $0x1  }
0xbc: {  	[sflag:s29] =	ssyncadd.s32 $0xFFFFFFFF  }
0xbd: {  	_ =	strace $0x90000048  }
0xbe: {  	_ =	sfence  }
0xbf: {  	s30 =	sld [smem:$0x0];
	_ =	sdelay $0x2  }
0xc0: {  	s31 =	sshll.u32 s1, $0xD;
	s1 =	sshrl.u32 s1, $0x2  }
0xc1: {  	s3 =	sand.u32 $0x4000, s31;
	s1 =	sadd.s32 s1, s30  }
0xc2: {  	s0 =	sor.u32 s3, s0;
	s1 =	sshll.u32 s1, $0x11  }
0xc3: {  	s0 =	sor.u32 s1, s0  }
0xc4: {  	s0 =	sadd.s32 $0x8F2B, s0  }
0xc5: {  	[sflag:s0] =	ssyncadd.remote.s32 $0x1  }
0xc6: {  	_ =	sfence.sel $0xFFFF  }
0xc7: {  	[dreg:$0x0] =	wrdreg $0xFFFFFFFF;
	(pc) =	sbr.abs _section_cstart, $3  }
0xc8: {  	[dreg:$0x1] =	wrdreg $0xFFFFFFFF  }
0xc9: {  	_ =	task.clear_ibuf [dreg:s9], $0x2FFFF;
	_ =	strace $0x9FFFFFFF  }
0xca: {  	(tm) =	ssettm $0x7FFFFFFF  }
0xcb: {  	_ =	shalt  }
tec
execute0_lowered:
.L_overlay_start_1:
0x0: {  	(tag) =	ssettag $0x1  }
0x1: {  	s0 =	rddreg [dreg:$0x0]  }
0x2: {  	s1 =	rddreg [dreg:$0x1]  }
0x3: {  	s4 =	rddreg [dreg:$0x2];
	s2 =	srdreg.scid  }
0x4: {  	s11 =	stileid.u32;
	s5 =	rddreg [dreg:$0x3]  }
0x5: {  	s16 =	simm.s32 $0xA;
	s17 =	simm.s32 $0x6400;
	s28 =	simm.s32 $0x2  }
0x6: {  	s29 =	simm.s32 $0x3;
	s30 =	simm.s32 $0x4;
	s22 =	smul.u32 $0xC8000, s11  }
0x7: {  	s31 =	simm.s32 $0x5;
	s6 =	sand.u32 $0x1, s2;
	s12 =	smul.u32 $0x640000, s11  }
0x8: {  	s3 =	sshll.u32 s11, $0x1;
	s2 =	simm.s32 $0x0;
	s13 =	smul.u32 $0x320000, s6  }
0x9: {  	s7 =	sor.u32 s6, s3;
	[smem:$0x7FF] =	sst s2;
	s24 =	smul.u32 $0x64000, s6  }
0xa: {  	s9 =	ssub.s32 $0x2, s6;
	s3 =	smul.u32 $0x6400, s7;
	_ =	strace $0x80000047  }
0xb: {  	s8 =	sshll.u32 s7, $0x4;
	s18 =	sshrl.u32 s9, $0x1;
	s20 =	smul.u32 $0x320000, s7  }
0xc: {  	s21 =	sshll.u32 s7, $0xB;
	s7 =	smul.u32 $0x64000, s7;
	s4 =	sadd.s32 s22, s4  }
0xd: {  	s8 =	sadd.s32 s8, s0;
	s1 =	sadd.s32 s1, s21;
	s25 =	sadd.s32 s13, s12  }
0xe: {  	s4 =	sadd.s32 s24, s4;
	s21 =	simm.s32 $0x1;
	s3 =	sshrl.u32 s3, $0x3  }
0xf: {  	s8 =	sadd.s32 $0xE00, s8;
	[dreg:$0x8] =	wrdreg s1;
	s23 =	sshrl.u32 s20, $0x3  }
0x10: {  	s7 =	sadd.s32 s5, s7;
	s26 =	sshrl.u32 s25, $0x3;
	s6 =	sadd.s32 $0x1800, s4  }
0x11: {  	s1 =	sadd.s32 s22, s5;
	s20 =	simm.s32 $0xC800;
	s22 =	simm.s32 $0x10800  }
0x12: {  	s25 =	simm.s32 $0x9;
	s4 =	simm.s32 $0x0;
	s10 =	sadd.s32 s3, s0  }
0x13: {  	s3 =	sadd.s32 $0x33000, s0;
	s0 =	ssub.s32 s9, s18;
	[dreg:$0x7] =	wrdreg s8  }
0x14: {  	s11 =	sadd.s32 $0x63000, s7;
	s12 =	sadd.s32 $0x63800, s7;
	s14 =	sadd.s32 s26, s5  }
0x15: {  	s15 =	sadd.s32 s24, s1;
	s18 =	simm.s32 $0x1C800;
	s19 =	sadd.s32 $0x1000, s10  }
0x16: {  	s24 =	simm.s32 $0x14800;
	s10 =	sadd.s32 $0x1A000, s10;
	[dreg:$0x5] =	wrdreg s19  }
0x17: {  	s26 =	simm.s32 $0x18800;
	s0 =	smax.u32 s0, $0x1;
	[dreg:$0x6] =	wrdreg s10  }
0x18: {  	s1 =	simm.s32 $0x6;
	[dreg:$0x9] =	wrdreg s0;
	s0 =	sadd.s32 s5, s23  }
0x19: {  	s10 =	sadd.s32 $0x62800, s7;
	s19 =	simm.s32 $0x80;
	s0 =	sadd.s32 $0x62000, s0  }
0x1a: {  	s23 =	simm.s32 $0x8;
	[dreg:$0xa] =	wrdreg s0;
	s0 =	simm.s32 $0x7  }
.LBB2_1:
0x1b: {  	s5 =	rddreg [dreg:$0x5]  }
0x1c: {  	[tilespmem:s2], [sflag:$0xA] =	stream.linear.gather [hbm4b:s5+s2], $0x6400, $0x38;
	[tilespmem:$0x1C880] =	vst v63  }
0x1d: {  	_ =	swait.ge [sflag:s16], $0x6400  }
0x1e: {  	[sflag:s16] =	ssyncset.done $0x0  }
0x1f: {  	s9 =	rddreg [dreg:$0x6];
	[sflag:s16] =	ssyncadd.s32 $0xFFFF9C00  }
0x20: {  	[tilespmem:s17], [sflag:$0xA] =	stream.linear.gather [hbm4b:s9+s2], $0x6400, $0x38;
	[tilespmem:$0x1C880] =	vst v63  }
0x21: {  	_ =	swait.ge [sflag:s16], $0x6400  }
0x22: {  	[sflag:s16] =	ssyncset.done $0x0  }
0x23: {  	s13 =	rddreg [dreg:$0x7];
	[sflag:s16] =	ssyncadd.s32 $0xFFFF9C00  }
0x24: {  	[tilespmem:s18], [sflag:$0xA] =	stream.linear.gather [hbm4b:s13+s2], $0x80, $0x38;
	[tilespmem:$0x1C880] =	vst v63  }
0x25: {  	_ =	swait.ge [sflag:s16], $0x80  }
0x26: {  	[sflag:s16] =	ssyncset.done $0x0  }
0x27: {  	s7 =	simm.s32 $0x40;
	s5 =	simm.s32 $0x0;
	[sflag:s16] =	ssyncadd.s32 $0xFFFFFF80  }
.LBB2_2:
0x28: {  	p0 =	sne.s32 s7, $0x18FC0;
	v0 =	vld [tilespmem:s5+$0x0];
	_ =	sdelay $0x2  }
.Ltmp0:
0x29: {  	(pc) =	sbr.rel @p0 .LBB2_2-.Ltmp0, $4  }
0x2a: {  	_ = 	snop  }
0x2b: {  	vm0 =	vgt.s32 v0, $0x0  }
0x2c: {  	v0 =	vnsel vm0, $0x186A1, v0  }
0x2d: {  	[tilespmem:s5+$0x0] =	vst v0;
	s5 =	sshra.s32 s7, $0x2;
	s7 =	sadd.s32 $0x40, s7  }
0x2e: {  	v0 =	vld [tilespmem:s5+$0x0];
	_ =	sdelay $0x4  }
0x2f: {  	vm0 =	vgt.s32 v0, $0x0  }
0x30: {  	v0 =	vnsel vm0, $0x186A1, v0  }
0x31: {  	[tilespmem:s5+$0x0] =	vst v0  }
0x32: {  	[tilespmem:s20], [sflag:$0x1] =	stream.indirect.gather [hbm4b:s3+s19], $0x80, s18, s19, $0xb8;
	[tilespmem:$0x1C880] =	vst v63  }
0x33: {  	_ =	swait.ge [sflag:s21], $0x4000  }
0x34: {  	[sflag:s21] =	ssyncset.done $0x0  }
0x35: {  	s5 =	simm.s32 $0x0;
	s7 =	rddreg [dreg:$0x8];
	[sflag:s21] =	ssyncadd.s32 $0xFFFFC000  }
0x36: {  	[hbm4b:s7+s5] =	stream.linear.scatter [tilespmem:s20], [sflag:$0xA], $0x4000, $0x38;
	[tilespmem:$0x1C880] =	vst v63  }
0x37: {  	_ =	swait.ge [sflag:s16], $0x4000  }
0x38: {  	[sflag:s16] =	ssyncset.done $0x0  }
0x39: {  	[sflag:s16] =	ssyncadd.s32 $0xFFFFC000  }
0x3a: {  	[tilespmem:s20], [sflag:$0x2] =	stream.indirect.gather [hbm4b:s3+s19], $0x80, s5, s19, $0xb8;
	[tilespmem:$0x1C880] =	vst v63  }
0x3b: {  	_ = 	snop  }
0x3c: {  	[tilespmem:s22], [sflag:$0x3] =	stream.indirect.gather [hbm4b:s3+s19], $0x80, s19, s19, $0xb8;
	[tilespmem:$0x1C880] =	vst v63  }
0x3d: {  	s9 =	simm.s32 $0x100  }
0x3e: {  	[tilespmem:s24], [sflag:$0x4] =	stream.indirect.gather [hbm4b:s3+s19], $0x80, s9, s19, $0xb8;
	[tilespmem:$0x1C880] =	vst v63  }
0x3f: {  	s13 =	simm.s32 $0x180  }
0x40: {  	[tilespmem:s26], [sflag:$0x5] =	stream.indirect.gather [hbm4b:s3+s19], $0x80, s13, s19, $0xb8;
	[tilespmem:$0x1C880] =	vst v63  }
0x41: {  	s13 =	smov.u32 s6  }
.LBB2_4:
0x42: {  	_ =	swait.ge [sflag:s28], $0x4000  }
0x43: {  	[sflag:s28] =	ssyncset.done $0x0  }
0x44: {  	s7 =	sadd.s32 $0xFFFFE800, s13;
	[sflag:s28] =	ssyncadd.s32 $0xFFFFC000  }
0x45: {  	[hbm4b:s7+s2] =	stream.linear.scatter [tilespmem:s20], [sflag:$0x6], $0x4000, $0x38;
	[tilespmem:$0x1C880] =	vst v63  }
0x46: {  	_ =	swait.ge [sflag:s29], $0x4000  }
0x47: {  	[sflag:s29] =	ssyncset.done $0x0  }
0x48: {  	s8 =	sadd.s32 $0xFFFFF000, s13;
	[sflag:s29] =	ssyncadd.s32 $0xFFFFC000  }
0x49: {  	[hbm4b:s8+s2] =	stream.linear.scatter [tilespmem:s22], [sflag:$0x7], $0x4000, $0x38;
	[tilespmem:$0x1C880] =	vst v63  }
0x4a: {  	_ =	swait.ge [sflag:s30], $0x4000  }
0x4b: {  	[sflag:s30] =	ssyncset.done $0x0  }
0x4c: {  	s9 =	sadd.s32 $0xFFFFF800, s13;
	[sflag:s30] =	ssyncadd.s32 $0xFFFFC000  }
0x4d: {  	[hbm4b:s9+s2] =	stream.linear.scatter [tilespmem:s24], [sflag:$0x8], $0x4000, $0x38;
	[tilespmem:$0x1C880] =	vst v63  }
0x4e: {  	_ =	swait.ge [sflag:s31], $0x4000  }
0x4f: {  	[sflag:s31] =	ssyncset.done $0x0  }
0x50: {  	s7 =	sshra.s32 s5, $0x2;
	[sflag:s31] =	ssyncadd.s32 $0xFFFFC000  }
0x51: {  	[hbm4b:s13+s2] =	stream.linear.scatter [tilespmem:s26], [sflag:$0x9], $0x4000, $0x38;
	[tilespmem:$0x1C880] =	vst v63  }
0x52: {  	v0 =	vld [tilespmem:s7+$0x6400]  }
0x53: {  	v1 =	vld [tilespmem:s7+$0x6410]  }
0x54: {  	v2 =	vld [tilespmem:s7+$0x6420]  }
0x55: {  	v3 =	vld [tilespmem:s7+$0x6430]  }
0x56: {  	v4 =	vld [tilespmem:s7+$0x6440]  }
0x57: {  	v5 =	vld [tilespmem:s7+$0x6450];
	vm0 =	vgt.s32 v0, $0x0  }
0x58: {  	v6 =	vld [tilespmem:s7+$0x6460];
	vm9 =	vgt.s32 v1, $0x0;
	v0 =	vnsel vm0, $0x186A1, v0  }
0x59: {  	v9 =	vld [tilespmem:s7+$0x6470];
	vm10 =	vgt.s32 v2, $0x0;
	v8 =	vnsel vm9, $0x186A1, v1;
	[tilespmem:s7+$0x6400] =	vst v0  }
0x5a: {  	v11 =	vld [tilespmem:s7+$0x6480];
	vm11 =	vgt.s32 v3, $0x0;
	v10 =	vnsel vm10, $0x186A1, v2;
	[tilespmem:s7+$0x6410] =	vst v8  }
0x5b: {  	v13 =	vld [tilespmem:s7+$0x6490];
	vm12 =	vgt.s32 v4, $0x0;
	v12 =	vnsel vm11, $0x186A1, v3;
	[tilespmem:s7+$0x6420] =	vst v10  }
0x5c: {  	v15 =	vld [tilespmem:s7+$0x64A0];
	vm13 =	vgt.s32 v5, $0x0;
	v14 =	vnsel vm12, $0x186A1, v4;
	[tilespmem:s7+$0x6430] =	vst v12  }
0x5d: {  	v17 =	vld [tilespmem:s7+$0x64B0];
	vm14 =	vgt.s32 v6, $0x0;
	v16 =	vnsel vm13, $0x186A1, v5;
	[tilespmem:s7+$0x6440] =	vst v14  }
0x5e: {  	v19 =	vld [tilespmem:s7+$0x64C0];
	vm15 =	vgt.s32 v9, $0x0;
	v18 =	vnsel vm14, $0x186A1, v6;
	[tilespmem:s7+$0x6450] =	vst v16  }
0x5f: {  	v21 =	vld [tilespmem:s7+$0x64D0];
	vm4 =	vgt.s32 v11, $0x0;
	v20 =	vnsel vm15, $0x186A1, v9;
	[tilespmem:s7+$0x6460] =	vst v18  }
0x60: {  	v23 =	vld [tilespmem:s7+$0x64E0];
	vm5 =	vgt.s32 v13, $0x0;
	v22 =	vnsel vm4, $0x186A1, v11;
	[tilespmem:s7+$0x6470] =	vst v20  }
0x61: {  	v25 =	vld [tilespmem:s7+$0x64F0];
	vm6 =	vgt.s32 v15, $0x0;
	v24 =	vnsel vm5, $0x186A1, v13;
	[tilespmem:s7+$0x6480] =	vst v22  }
0x62: {  	v27 =	vld [tilespmem:s7+$0x6500];
	vm7 =	vgt.s32 v17, $0x0;
	v26 =	vnsel vm6, $0x186A1, v15;
	[tilespmem:s7+$0x6490] =	vst v24  }
0x63: {  	v29 =	vld [tilespmem:s7+$0x6510];
	vm8 =	vgt.s32 v19, $0x0;
	v28 =	vnsel vm7, $0x186A1, v17;
	[tilespmem:s7+$0x64A0] =	vst v26  }
0x64: {  	v31 =	vld [tilespmem:s7+$0x6520];
	v30 =	vnsel vm8, $0x186A1, v19;
	vm9 =	vgt.s32 v21, $0x0;
	[tilespmem:s7+$0x64B0] =	vst v28  }
0x65: {  	v33 =	vld [tilespmem:s7+$0x6530];
	vm10 =	vgt.s32 v23, $0x0;
	[tilespmem:s7+$0x64C0] =	vst v30;
	v32 =	vnsel vm9, $0x186A1, v21  }
0x66: {  	v35 =	vld [tilespmem:s7+$0x6540];
	vm11 =	vgt.s32 v25, $0x0;
	v34 =	vnsel vm10, $0x186A1, v23;
	[tilespmem:s7+$0x64D0] =	vst v32  }
0x67: {  	v37 =	vld [tilespmem:s7+$0x6550];
	vm12 =	vgt.s32 v27, $0x0;
	v36 =	vnsel vm11, $0x186A1, v25;
	[tilespmem:s7+$0x64E0] =	vst v34  }
0x68: {  	v39 =	vld [tilespmem:s7+$0x6560];
	vm13 =	vgt.s32 v29, $0x0;
	v38 =	vnsel vm12, $0x186A1, v27;
	[tilespmem:s7+$0x64F0] =	vst v36  }
0x69: {  	v41 =	vld [tilespmem:s7+$0x6570];
	vm14 =	vgt.s32 v31, $0x0;
	v40 =	vnsel vm13, $0x186A1, v29;
	[tilespmem:s7+$0x6500] =	vst v38  }
0x6a: {  	v43 =	vld [tilespmem:s7+$0x6580];
	vm15 =	vgt.s32 v33, $0x0;
	v42 =	vnsel vm14, $0x186A1, v31;
	[tilespmem:s7+$0x6510] =	vst v40  }
0x6b: {  	v45 =	vld [tilespmem:s7+$0x6590];
	vm4 =	vgt.s32 v35, $0x0;
	v44 =	vnsel vm15, $0x186A1, v33;
	[tilespmem:s7+$0x6520] =	vst v42  }
0x6c: {  	v47 =	vld [tilespmem:s7+$0x65A0];
	vm5 =	vgt.s32 v37, $0x0;
	v46 =	vnsel vm4, $0x186A1, v35;
	[tilespmem:s7+$0x6530] =	vst v44  }
0x6d: {  	v49 =	vld [tilespmem:s7+$0x65B0];
	vm6 =	vgt.s32 v39, $0x0;
	v48 =	vnsel vm5, $0x186A1, v37;
	[tilespmem:s7+$0x6540] =	vst v46  }
0x6e: {  	v51 =	vld [tilespmem:s7+$0x65C0];
	vm7 =	vgt.s32 v41, $0x0;
	v50 =	vnsel vm6, $0x186A1, v39;
	[tilespmem:s7+$0x6550] =	vst v48  }
0x6f: {  	v53 =	vld [tilespmem:s7+$0x65D0];
	vm8 =	vgt.s32 v43, $0x0;
	v52 =	vnsel vm7, $0x186A1, v41;
	[tilespmem:s7+$0x6560] =	vst v50  }
0x70: {  	v55 =	vld [tilespmem:s7+$0x65E0];
	v54 =	vnsel vm8, $0x186A1, v43;
	vm9 =	vgt.s32 v45, $0x0;
	[tilespmem:s7+$0x6570] =	vst v52  }
0x71: {  	v57 =	vld [tilespmem:s7+$0x65F0];
	vm10 =	vgt.s32 v47, $0x0;
	[tilespmem:s7+$0x6580] =	vst v54;
	v56 =	vnsel vm9, $0x186A1, v45  }
0x72: {  	vm11 =	vgt.s32 v49, $0x0;
	v58 =	vnsel vm10, $0x186A1, v47;
	[tilespmem:s7+$0x6590] =	vst v56  }
0x73: {  	vm12 =	vgt.s32 v51, $0x0;
	v59 =	vnsel vm11, $0x186A1, v49;
	[tilespmem:s7+$0x65A0] =	vst v58  }
0x74: {  	vm13 =	vgt.s32 v53, $0x0;
	v60 =	vnsel vm12, $0x186A1, v51;
	[tilespmem:s7+$0x65B0] =	vst v59  }
0x75: {  	vm14 =	vgt.s32 v55, $0x0;
	v61 =	vnsel vm13, $0x186A1, v53;
	[tilespmem:s7+$0x65C0] =	vst v60  }
0x76: {  	p0 =	seq.s32 s5, $0x18800;
	vm15 =	vgt.s32 v57, $0x0;
	v62 =	vnsel vm14, $0x186A1, v55;
	[tilespmem:s7+$0x65D0] =	vst v61  }
.Ltmp1:
0x77: {  	v63 =	vnsel vm15, $0x186A1, v57;
	[tilespmem:s7+$0x65E0] =	vst v62;
	(pc) =	sbr.rel @p0 .LBB2_6-.Ltmp1, $4  }
0x78: {  	[tilespmem:s7+$0x65F0] =	vst v63  }
0x79: {  	_ =	swait.ge [sflag:s1], $0x4000  }
0x7a: {  	[sflag:s1] =	ssyncset.done $0x0  }
0x7b: {  	[sflag:s1] =	ssyncadd.s32 $0xFFFFC000  }
0x7c: {  	s8 =	sadd.s32 $0x200, s7  }
0x7d: {  	[tilespmem:s20], [sflag:$0x2] =	stream.indirect.gather [hbm4b:s3+s19], $0x80, s8, s19, $0xb8;
	[tilespmem:$0x1C880] =	vst v63  }
0x7e: {  	_ =	swait.ge [sflag:s0], $0x4000  }
0x7f: {  	[sflag:s0] =	ssyncset.done $0x0  }
0x80: {  	s9 =	sadd.s32 $0x280, s7;
	[sflag:s0] =	ssyncadd.s32 $0xFFFFC000  }
0x81: {  	[tilespmem:s22], [sflag:$0x3] =	stream.indirect.gather [hbm4b:s3+s19], $0x80, s9, s19, $0xb8;
	[tilespmem:$0x1C880] =	vst v63  }
0x82: {  	_ =	swait.ge [sflag:s23], $0x4000  }
0x83: {  	[sflag:s23] =	ssyncset.done $0x0  }
0x84: {  	s9 =	sadd.s32 $0x300, s7;
	[sflag:s23] =	ssyncadd.s32 $0xFFFFC000  }
0x85: {  	[tilespmem:s24], [sflag:$0x4] =	stream.indirect.gather [hbm4b:s3+s19], $0x80, s9, s19, $0xb8;
	[tilespmem:$0x1C880] =	vst v63  }
.Ltmp2:
0x86: {  	_ = 	snop;
	(pc) =	sbr.rel .LBB2_4-.Ltmp2, $4  }
0x87: {  	_ =	swait.ge [sflag:s25], $0x4000  }
0x88: {  	s5 =	sadd.s32 $0x800, s5;
	[sflag:s25] =	ssyncset.done $0x0  }
0x89: {  	s13 =	sadd.s32 $0x2000, s13;
	s9 =	sadd.s32 $0x380, s7;
	[sflag:s25] =	ssyncadd.s32 $0xFFFFC000  }
0x8a: {  	[tilespmem:s26], [sflag:$0x5] =	stream.indirect.gather [hbm4b:s3+s19], $0x80, s9, s19, $0xb8;
	[tilespmem:$0x1C880] =	vst v63  }
.LBB2_6:
0x8b: {  	_ =	swait.ge [sflag:s0], $0x4000  }
0x8c: {  	[sflag:s0] =	ssyncset.done $0x0  }
0x8d: {  	[sflag:s0] =	ssyncadd.s32 $0xFFFFC000  }
0x8e: {  	_ =	swait.ge [sflag:s23], $0x4000  }
0x8f: {  	[sflag:s23] =	ssyncset.done $0x0  }
0x90: {  	[sflag:s23] =	ssyncadd.s32 $0xFFFFC000  }
0x91: {  	_ =	swait.ge [sflag:s25], $0x4000  }
0x92: {  	[sflag:s25] =	ssyncset.done $0x0  }
0x93: {  	[sflag:s25] =	ssyncadd.s32 $0xFFFFC000  }
0x94: {  	[tilespmem:s20], [sflag:$0x2] =	stream.indirect.gather [hbm4b:s3+s19], $0x80, s17, s19, $0xb8;
	[tilespmem:$0x1C880] =	vst v63  }
0x95: {  	s5 =	simm.s32 $0x6480  }
0x96: {  	[tilespmem:s22], [sflag:$0x3] =	stream.indirect.gather [hbm4b:s3+s19], $0x80, s5, s19, $0xb8;
	[tilespmem:$0x1C880] =	vst v63  }
0x97: {  	s13 =	simm.s32 $0x6500  }
0x98: {  	[tilespmem:s24], [sflag:$0x4] =	stream.indirect.gather [hbm4b:s3+s19], $0x80, s13, s19, $0xb8;
	[tilespmem:$0x1C880] =	vst v63  }
0x99: {  	s7 =	simm.s32 $0x6580  }
0x9a: {  	[tilespmem:s26], [sflag:$0x5] =	stream.indirect.gather [hbm4b:s3+s19], $0x80, s7, s19, $0xb8;
	[tilespmem:$0x1C880] =	vst v63  }
0x9b: {  	_ =	swait.ge [sflag:s28], $0x4000  }
0x9c: {  	[sflag:s28] =	ssyncset.done $0x0  }
0x9d: {  	s8 =	sadd.s32 $0x0, s14;
	[sflag:s28] =	ssyncadd.s32 $0xFFFFC000  }
0x9e: {  	[hbm4b:s8+s2] =	stream.linear.scatter [tilespmem:s20], [sflag:$0x6], $0x4000, $0x38;
	[tilespmem:$0x1C880] =	vst v63  }
0x9f: {  	_ =	swait.ge [sflag:s29], $0x4000  }
0xa0: {  	s9 =	sadd.s32 $0x0, s15;
	[sflag:s29] =	ssyncset.done $0x0  }
0xa1: {  	s7 =	sadd.s32 $0x800, s9;
	[sflag:s29] =	ssyncadd.s32 $0xFFFFC000  }
0xa2: {  	[hbm4b:s7+s2] =	stream.linear.scatter [tilespmem:s22], [sflag:$0x7], $0x4000, $0x38;
	[tilespmem:$0x1C880] =	vst v63  }
0xa3: {  	_ =	swait.ge [sflag:s30], $0x4000  }
0xa4: {  	[sflag:s30] =	ssyncset.done $0x0  }
0xa5: {  	s13 =	sadd.s32 $0x1000, s9;
	[sflag:s30] =	ssyncadd.s32 $0xFFFFC000  }
0xa6: {  	[hbm4b:s13+s2] =	stream.linear.scatter [tilespmem:s24], [sflag:$0x8], $0x4000, $0x38;
	[tilespmem:$0x1C880] =	vst v63  }
0xa7: {  	_ =	swait.ge [sflag:s31], $0x4000  }
0xa8: {  	[sflag:s31] =	ssyncset.done $0x0  }
0xa9: {  	s5 =	sadd.s32 $0x1800, s9;
	[sflag:s31] =	ssyncadd.s32 $0xFFFFC000  }
0xaa: {  	[hbm4b:s5+s2] =	stream.linear.scatter [tilespmem:s26], [sflag:$0x9], $0x4000, $0x38;
	[tilespmem:$0x1C880] =	vst v63  }
0xab: {  	_ =	swait.ge [sflag:s1], $0x4000  }
0xac: {  	[sflag:s1] =	ssyncset.done $0x0  }
0xad: {  	s8 =	simm.s32 $0x6600;
	[sflag:s1] =	ssyncadd.s32 $0xFFFFC000  }
0xae: {  	[tilespmem:s20], [sflag:$0x2] =	stream.indirect.gather [hbm4b:s3+s19], $0x80, s8, s19, $0xb8;
	[tilespmem:$0x1C880] =	vst v63  }
0xaf: {  	_ =	swait.ge [sflag:s0], $0x4000  }
0xb0: {  	[sflag:s0] =	ssyncset.done $0x0  }
0xb1: {  	s9 =	simm.s32 $0x6680;
	[sflag:s0] =	ssyncadd.s32 $0xFFFFC000  }
0xb2: {  	[tilespmem:s22], [sflag:$0x3] =	stream.indirect.gather [hbm4b:s3+s19], $0x80, s9, s19, $0xb8;
	[tilespmem:$0x1C880] =	vst v63  }
0xb3: {  	_ =	swait.ge [sflag:s23], $0x4000  }
0xb4: {  	[sflag:s23] =	ssyncset.done $0x0  }
0xb5: {  	s13 =	simm.s32 $0x6700;
	[sflag:s23] =	ssyncadd.s32 $0xFFFFC000  }
0xb6: {  	[tilespmem:s24], [sflag:$0x4] =	stream.indirect.gather [hbm4b:s3+s19], $0x80, s13, s19, $0xb8;
	[tilespmem:$0x1C880] =	vst v63  }
0xb7: {  	_ =	swait.ge [sflag:s25], $0x4000  }
0xb8: {  	s7 =	simm.s32 $0x2000;
	[sflag:s25] =	ssyncset.done $0x0  }
0xb9: {  	s5 =	simm.s32 $0x6780;
	s13 =	simm.s32 $0x6980;
	[sflag:s25] =	ssyncadd.s32 $0xFFFFC000  }
.LBB2_7:
0xba: {  	[tilespmem:s26], [sflag:$0x5] =	stream.indirect.gather [hbm4b:s3+s19], $0x80, s5, s19, $0xb8;
	[tilespmem:$0x1C880] =	vst v63  }
0xbb: {  	s8 =	smov.u32 s7;
	s5 =	smov.u32 s13  }
0xbc: {  	p0 =	sne.s32 s7, $0x60000;
	s7 =	sadd.s32 $0x2000, s7;
	_ =	swait.ge [sflag:s28], $0x4000  }
0xbd: {  	[sflag:s28] =	ssyncset.done $0x0  }
0xbe: {  	s9 =	sadd.s32 s8, s14;
	[sflag:s28] =	ssyncadd.s32 $0xFFFFC000  }
0xbf: {  	[hbm4b:s9+s2] =	stream.linear.scatter [tilespmem:s20], [sflag:$0x6], $0x4000, $0x38;
	[tilespmem:$0x1C880] =	vst v63  }
0xc0: {  	_ =	swait.ge [sflag:s29], $0x4000  }
0xc1: {  	s8 =	sadd.s32 s8, s15;
	[sflag:s29] =	ssyncset.done $0x0  }
0xc2: {  	s9 =	sadd.s32 $0x800, s8;
	[sflag:s29] =	ssyncadd.s32 $0xFFFFC000  }
0xc3: {  	[hbm4b:s9+s2] =	stream.linear.scatter [tilespmem:s22], [sflag:$0x7], $0x4000, $0x38;
	[tilespmem:$0x1C880] =	vst v63  }
0xc4: {  	_ =	swait.ge [sflag:s30], $0x4000  }
0xc5: {  	[sflag:s30] =	ssyncset.done $0x0  }
0xc6: {  	s9 =	sadd.s32 $0x1000, s8;
	[sflag:s30] =	ssyncadd.s32 $0xFFFFC000  }
0xc7: {  	[hbm4b:s9+s2] =	stream.linear.scatter [tilespmem:s24], [sflag:$0x8], $0x4000, $0x38;
	[tilespmem:$0x1C880] =	vst v63  }
0xc8: {  	_ =	swait.ge [sflag:s31], $0x4000  }
0xc9: {  	[sflag:s31] =	ssyncset.done $0x0  }
0xca: {  	s8 =	sadd.s32 $0x1800, s8;
	[sflag:s31] =	ssyncadd.s32 $0xFFFFC000  }
0xcb: {  	[hbm4b:s8+s2] =	stream.linear.scatter [tilespmem:s26], [sflag:$0x9], $0x4000, $0x38;
	[tilespmem:$0x1C880] =	vst v63  }
0xcc: {  	_ =	swait.ge [sflag:s1], $0x4000  }
0xcd: {  	[sflag:s1] =	ssyncset.done $0x0  }
0xce: {  	s8 =	sadd.s32 $0xFFFFFE80, s13;
	[sflag:s1] =	ssyncadd.s32 $0xFFFFC000  }
0xcf: {  	[tilespmem:s20], [sflag:$0x2] =	stream.indirect.gather [hbm4b:s3+s19], $0x80, s8, s19, $0xb8;
	[tilespmem:$0x1C880] =	vst v63  }
0xd0: {  	_ =	swait.ge [sflag:s0], $0x4000  }
0xd1: {  	[sflag:s0] =	ssyncset.done $0x0  }
0xd2: {  	s8 =	sadd.s32 $0xFFFFFF00, s13;
	[sflag:s0] =	ssyncadd.s32 $0xFFFFC000  }
0xd3: {  	[tilespmem:s22], [sflag:$0x3] =	stream.indirect.gather [hbm4b:s3+s19], $0x80, s8, s19, $0xb8;
	[tilespmem:$0x1C880] =	vst v63  }
0xd4: {  	_ =	swait.ge [sflag:s23], $0x4000  }
0xd5: {  	[sflag:s23] =	ssyncset.done $0x0  }
.Ltmp3:
0xd6: {  	s8 =	sadd.s32 $0xFFFFFF80, s13;
	[sflag:s23] =	ssyncadd.s32 $0xFFFFC000;
	(pc) =	sbr.rel @p0 .LBB2_7-.Ltmp3, $4  }
0xd7: {  	[tilespmem:s24], [sflag:$0x4] =	stream.indirect.gather [hbm4b:s3+s19], $0x80, s8, s19, $0xb8;
	[tilespmem:$0x1C880] =	vst v63  }
0xd8: {  	_ =	swait.ge [sflag:s25], $0x4000  }
0xd9: {  	[sflag:s25] =	ssyncset.done $0x0  }
0xda: {  	s13 =	sadd.s32 $0x200, s13;
	[sflag:s25] =	ssyncadd.s32 $0xFFFFC000  }
0xdb: {  	[tilespmem:s26], [sflag:$0x5] =	stream.indirect.gather [hbm4b:s3+s19], $0x80, s5, s19, $0xb8;
	[tilespmem:$0x1C880] =	vst v63  }
0xdc: {  	_ =	swait.ge [sflag:s28], $0x4000  }
0xdd: {  	[sflag:s28] =	ssyncset.done $0x0  }
0xde: {  	s9 =	rddreg [dreg:$0xa];
	[sflag:s28] =	ssyncadd.s32 $0xFFFFC000  }
0xdf: {  	[hbm4b:s9+s2] =	stream.linear.scatter [tilespmem:s20], [sflag:$0x6], $0x4000, $0x38;
	[tilespmem:$0x1C880] =	vst v63  }
0xe0: {  	_ =	swait.ge [sflag:s29], $0x4000  }
0xe1: {  	[sflag:s29] =	ssyncset.done $0x0  }
0xe2: {  	[sflag:s29] =	ssyncadd.s32 $0xFFFFC000  }
0xe3: {  	[hbm4b:s10+s2] =	stream.linear.scatter [tilespmem:s22], [sflag:$0x7], $0x4000, $0x38;
	[tilespmem:$0x1C880] =	vst v63  }
0xe4: {  	_ =	swait.ge [sflag:s30], $0x4000  }
0xe5: {  	[sflag:s30] =	ssyncset.done $0x0  }
0xe6: {  	[sflag:s30] =	ssyncadd.s32 $0xFFFFC000  }
0xe7: {  	[hbm4b:s11+s2] =	stream.linear.scatter [tilespmem:s24], [sflag:$0x8], $0x4000, $0x38;
	[tilespmem:$0x1C880] =	vst v63  }
0xe8: {  	_ =	swait.ge [sflag:s31], $0x4000  }
0xe9: {  	[sflag:s31] =	ssyncset.done $0x0  }
0xea: {  	[sflag:s31] =	ssyncadd.s32 $0xFFFFC000  }
0xeb: {  	[hbm4b:s12+s2] =	stream.linear.scatter [tilespmem:s26], [sflag:$0x9], $0x4000, $0x38;
	[tilespmem:$0x1C880] =	vst v63  }
0xec: {  	_ =	swait.ge [sflag:s1], $0x4000  }
0xed: {  	[sflag:s1] =	ssyncset.done $0x0  }
0xee: {  	[sflag:s1] =	ssyncadd.s32 $0xFFFFC000  }
0xef: {  	_ =	swait.ge [sflag:s0], $0x4000  }
0xf0: {  	[sflag:s0] =	ssyncset.done $0x0  }
0xf1: {  	[sflag:s0] =	ssyncadd.s32 $0xFFFFC000  }
0xf2: {  	_ =	swait.ge [sflag:s23], $0x4000  }
0xf3: {  	[sflag:s23] =	ssyncset.done $0x0  }
0xf4: {  	[sflag:s23] =	ssyncadd.s32 $0xFFFFC000  }
0xf5: {  	_ =	swait.ge [sflag:s25], $0x4000  }
0xf6: {  	s4 =	sadd.s32 $0x1, s4;
	s13 =	rddreg [dreg:$0x9]  }
0xf7: {  	p0 =	sne.s32 s4, s13  }
.Ltmp4:
0xf8: {  	_ = 	snop;
	(pc) =	sbr.rel @p0 .LBB2_1-.Ltmp4, $3  }
0xf9: {  	_ =	sdelay $0x1  }
0xfa: {  	[sflag:s25] =	ssyncset.done $0x0  }
0xfb: {  	[sflag:s25] =	ssyncadd.s32 $0xFFFFC000  }
0xfc: {  	_ =	sfence.sel $0x180000  }
0xfd: {  	[bflag:$0x0] =	sbarrier.arrive $0xFFFF  }
0xfe: {  	_ =	strace $0x90000047  }
0xff: {  	s0 =	stileid.u32;
	[bflag:$0x2] =	sbarrier.arrive $0xFFFF  }
0x100: {  	p0 =	sne.s32 s0, $0x0;
	s0 =	rddreg [dreg:$0x4]  }
0x101: {  	s0 =	sadd.s32 @!p0 $0x100000, s0  }
0x102: {  	[sflag:s0] =	ssyncadd.tile.s32 @!p0 $0x1;
	_ =	shalt  }
.Lfunc_end2:
_tile_overlayer_lowered:
.L_overlay_start_2:
0x103: {  	(tag) =	ssettag $0x2  }
0x104: {  	s0 =	rddreg [dreg:$0x0];
	s2 =	stileid.u32  }
0x105: {  	s1 =	rddreg [dreg:$0x1];
	p0 =	sne.s32 s2, $0x0  }
0x106: {  	s3 =	rddreg [dreg:$0x2];
	[bflag:$0x3] =	sbarrier.arrive $0xFFFF;
	s2 =	simm.s32 @!p0 $0x1C0A  }
0x107: {  	[timem:s3], [sflag:s2] =	dma.local @!p0 [hbm:s0], s1  }
0x108: {  	s0 =	simm.s32 @!p0 $0xA  }
0x109: {  	_ =	swait.ge @!p0 [sflag:s0], s1  }
0x10a: {  	s1 =	ssub.s32 @!p0 $0x0, s1;
	[sflag:s0] =	ssyncset.done @!p0 $0x0  }
0x10b: {  	[sflag:s0] =	ssyncadd.s32 @!p0 s1  }
0x10c: {  	[bflag:$0x3] =	sbarrier.arrive $0xFFFF  }
0x10d: {  	_ =	shalt  }

</sc_bundles>
